<compile_context>
chip_gen: v7x
topology: tpu7x:2x2x1
jax: 0.10.2.dev20260603
libtpu: 0.0.44.dev20260713+nightly
codegen_flags: <defaults>
</compile_context>

<pallas_src>
import functools

import jax
import jax.numpy as jnp
from jax import lax
from jax.experimental import pallas as pl
from jax.experimental.pallas import tpu as pltpu
from jax.experimental.pallas import tpu_sc as plsc

N = 10000
E = 160000
F = 256
HALF = 128
NC, NS = 2, 16
NPAD = 10112
RPT = NPAD // NS
CHUNK = 128
EPC = 163840
NCHUNKS = EPC // CHUNK
CPT = NCHUNKS // NS
CPT_DEG = NCHUNKS // (NC * NS)
TRASH = 10100
NBUF = 2
IBLK = 16


def _sc_mesh():
    return plsc.VectorSubcoreMesh(core_axis_name="c", subcore_axis_name="s")


def _deg(dst2d, ones_v, zeros_half):
    @functools.partial(
        pl.kernel,
        out_type=jax.ShapeDtypeStruct((NC, NPAD, HALF), jnp.float32),
        mesh=_sc_mesh(),
        scratch_types=[
            pltpu.VMEM((CHUNK, HALF), jnp.float32),
            pltpu.VMEM((CPT_DEG, CHUNK), jnp.int32),
            pltpu.VMEM_SHARED((NPAD, HALF), jnp.float32),
            pltpu.SemaphoreType.DMA,
            pltpu.SemaphoreType.DMA,
        ],
    )
    def k(dst_hbm, ones_hbm, zeros_hbm, deg_hbm, ones_vm, sidx_vm, acc, sem, ssem):
        c = lax.axis_index("c")
        t = lax.axis_index("s")
        row0 = (c * NS + t) * CPT_DEG
        pltpu.sync_copy(ones_hbm, ones_vm)
        pltpu.sync_copy(dst_hbm.at[pl.ds(row0, CPT_DEG)], sidx_vm)
        pltpu.sync_copy(zeros_hbm, acc.at[pl.ds(t * RPT, RPT)])
        plsc.subcore_barrier()

        @pl.loop(0, CPT_DEG)
        def _(j):
            pltpu.async_copy(ones_vm, acc.at[sidx_vm.at[j]], ssem, add=True)

        @pl.loop(0, CPT_DEG)
        def _(j):
            pltpu.make_async_copy(ones_vm, acc.at[sidx_vm.at[j]], ssem).wait()

        plsc.subcore_barrier()
        pltpu.sync_copy(acc.at[pl.ds(t * RPT, RPT)],
                        deg_hbm.at[c, pl.ds(t * RPT, RPT)])

    return k(dst2d, ones_v, zeros_half)


def _agg(edge_index, g2n, zeros_half):
    @functools.partial(
        pl.kernel,
        out_type=jax.ShapeDtypeStruct((NC, NPAD, HALF), jnp.float32),
        mesh=_sc_mesh(),
        scratch_types=[
            pltpu.VMEM((2, CHUNK), jnp.int32),
            pltpu.VMEM((CHUNK,), jnp.int32),
            pltpu.VMEM((CHUNK, HALF), jnp.float32),
            pltpu.VMEM_SHARED((NPAD, HALF), jnp.float32),
            pltpu.SemaphoreType.DMA,
        ],
    )
    def k(edge_hbm, g_hbm, zeros_hbm, s_hbm, eidx_vm, gidx_vm, rows_vm, acc, sem):
        c = lax.axis_index("c")
        t = lax.axis_index("s")
        base = c * N
        pltpu.sync_copy(zeros_hbm, acc.at[pl.ds(t * RPT, RPT)])
        plsc.subcore_barrier()

        @pl.loop(t, E // CHUNK, step=NS)
        def _(i):
            pltpu.sync_copy(edge_hbm.at[:, pl.ds(i * CHUNK, CHUNK)], eidx_vm)
            for v in range(CHUNK // 16):
                sl = pl.ds(v * 16, 16)
                gidx_vm[sl] = eidx_vm[0, sl] + base
            pltpu.async_copy(g_hbm.at[gidx_vm], rows_vm, sem).wait()
            pltpu.sync_copy(rows_vm, acc.at[eidx_vm.at[1]], add=True)

        plsc.subcore_barrier()
        pltpu.sync_copy(acc.at[pl.ds(t * RPT, RPT)],
                        s_hbm.at[c, pl.ds(t * RPT, RPT)])

    return k(edge_index, g2n, zeros_half)


_PREC = lax.Precision.HIGHEST


def _dinv_of(degp_blk):
    deg = degp_blk[0, :, 0] + degp_blk[1, :, 0] + 1.0
    return lax.rsqrt(deg)


def _mm1_body(x_ref, w1_ref, wp_ref, bp_ref, degp_ref, g1_ref, xp_ref):
    dinv = _dinv_of(degp_ref[...])
    m = jnp.dot(x_ref[...], w1_ref[...], preferred_element_type=jnp.float32,
                precision=_PREC)
    g1_ref[0] = dinv[:, None] * m
    xp_ref[...] = jnp.dot(x_ref[...], wp_ref[...],
                          preferred_element_type=jnp.float32,
                          precision=_PREC) + bp_ref[0]


def _mm1(x, W1, Wp_pad, bp_pad, degp, blk):
    grid = (N // blk, 2)
    return pl.pallas_call(
        _mm1_body,
        grid=grid,
        in_specs=[
            pl.BlockSpec((blk, F), lambda i, j: (i, 0)),
            pl.BlockSpec((F, HALF), lambda i, j: (0, j)),
            pl.BlockSpec((F, HALF), lambda i, j: (0, 0)),
            pl.BlockSpec((1, HALF), lambda i, j: (0, 0)),
            pl.BlockSpec((2, blk, HALF), lambda i, j: (0, i, 0)),
        ],
        out_specs=[
            pl.BlockSpec((1, blk, HALF), lambda i, j: (j, i, 0)),
            pl.BlockSpec((blk, HALF), lambda i, j: (i, 0)),
        ],
        out_shape=[
            jax.ShapeDtypeStruct((2, N, HALF), jnp.float32),
            jax.ShapeDtypeStruct((N, HALF), jnp.float32),
        ],
    )(x, W1, Wp_pad, bp_pad, degp)


def _mm2_body(s1_ref, g1_ref, degp_ref, b1_ref, xp_ref, w2a_ref, w2b_ref,
              g2_ref):
    dinv = _dinv_of(degp_ref[...])
    pre = dinv[None, :, None] * (s1_ref[...] + g1_ref[...])
    h = jnp.concatenate([pre[0], pre[1]], axis=1) + b1_ref[0]
    h = jnp.maximum(h, 0.0)
    h2 = (jnp.dot(h, w2a_ref[...], preferred_element_type=jnp.float32,
                  precision=_PREC)
          + jnp.dot(xp_ref[...], w2b_ref[...],
                    preferred_element_type=jnp.float32, precision=_PREC))
    g2_ref[0] = dinv[:, None] * h2


def _mm2(s1, g1, degp, b1r, xp, W2a, W2b_pad, blk):
    grid = (N // blk, 2)
    return pl.pallas_call(
        _mm2_body,
        grid=grid,
        in_specs=[
            pl.BlockSpec((2, blk, HALF), lambda i, j: (0, i, 0)),
            pl.BlockSpec((2, blk, HALF), lambda i, j: (0, i, 0)),
            pl.BlockSpec((2, blk, HALF), lambda i, j: (0, i, 0)),
            pl.BlockSpec((1, F), lambda i, j: (0, 0)),
            pl.BlockSpec((blk, HALF), lambda i, j: (i, 0)),
            pl.BlockSpec((F, HALF), lambda i, j: (0, j)),
            pl.BlockSpec((HALF, HALF), lambda i, j: (0, j)),
        ],
        out_specs=pl.BlockSpec((1, blk, HALF), lambda i, j: (j, i, 0)),
        out_shape=jax.ShapeDtypeStruct((2, N, HALF), jnp.float32),
    )(s1, g1, degp, b1r, xp, W2a, W2b_pad)


def _final_body(s2_ref, g2_ref, degp_ref, b2_ref, out_ref):
    dinv = _dinv_of(degp_ref[...])
    pre = dinv[None, :, None] * (s2_ref[...] + g2_ref[...])
    out_ref[...] = jnp.concatenate([pre[0], pre[1]], axis=1) + b2_ref[0]


def _final(s2, g2, degp, b2r, blk):
    return pl.pallas_call(
        _final_body,
        grid=(N // blk,),
        in_specs=[
            pl.BlockSpec((2, blk, HALF), lambda i: (0, i, 0)),
            pl.BlockSpec((2, blk, HALF), lambda i: (0, i, 0)),
            pl.BlockSpec((2, blk, HALF), lambda i: (0, i, 0)),
            pl.BlockSpec((1, F), lambda i: (0, 0)),
        ],
        out_specs=pl.BlockSpec((blk, F), lambda i: (i, 0)),
        out_shape=jax.ShapeDtypeStruct((N, F), jnp.float32),
    )(s2, g2, degp, b2r)


def kernel(edge_index, x, Wp, bp, W1, b1, W2, b2):
    blk = 1000
    Wp_pad = jnp.pad(Wp, ((0, 0), (0, HALF - Wp.shape[1])))
    bp_pad = jnp.pad(bp, (0, HALF - bp.shape[0])).reshape(1, HALF)
    W2a = W2[:F]
    W2b_pad = jnp.pad(W2[F:], ((0, HALF - (W2.shape[0] - F)), (0, 0)))
    b1r = b1.reshape(1, F)
    b2r = b2.reshape(1, F)
    ones_v = jnp.ones((CHUNK, HALF), jnp.float32)
    zeros_half = jnp.zeros((RPT, HALF), jnp.float32)
    npad_e = EPC - E
    pad_dst = N + jnp.arange(npad_e, dtype=edge_index.dtype) % (NPAD - N)
    pad_edges = jnp.stack([jnp.zeros((npad_e,), edge_index.dtype), pad_dst])
    epad = jnp.concatenate([edge_index, pad_edges], axis=1)
    dst2d = epad[1].reshape(NCHUNKS, CHUNK)

    degp = _deg(dst2d, ones_v, zeros_half)
    g1, xp = _mm1(x, W1, Wp_pad, bp_pad, degp, blk)
    s1 = _agg(edge_index, g1.reshape(2 * N, HALF), zeros_half)
    g2 = _mm2(s1, g1, degp, b1r, xp, W2a, W2b_pad, blk)
    s2 = _agg(edge_index, g2.reshape(2 * N, HALF), zeros_half)
    return _final(s2, g2, degp, b2r, blk)

# --- scband reference (transcript-rebuilt; emitter-appended) ---
"""Pipeline reference for scband-dgcn-2843268350770 (READ-ONLY COPY).

The authoritative reference and input builder live on the scoring server;
editing this copy changes nothing except your own understanding.
"""

import jax, jax.numpy as jnp
import numpy as np

N_NODES = 10000
N_EDGES = 160000
NFEATS = 256
NHIDS = 256
NOUT = 256
PROJ = 4


def _gcn_conv(x, edge_index, W, b):
    # PyG GCNConv: add self-loops, sym-normalize, aggregate, then bias.
    n = x.shape[0]
    h = x @ W
    loop = jnp.arange(n, dtype=edge_index.dtype)
    src = jnp.concatenate([edge_index[0], loop])
    dst = jnp.concatenate([edge_index[1], loop])
    deg = jnp.zeros((n,), dtype=h.dtype).at[dst].add(1.0)
    dinv = jnp.where(deg > 0, deg ** -0.5, 0.0)
    norm = dinv[src] * dinv[dst]
    out = jnp.zeros_like(h).at[dst].add(norm[:, None] * h[src])
    return out + b


def setup_inputs(seed: int = 0):
    key = jax.random.key(seed)
    ks = jax.random.split(key, 8)
    x = jax.random.normal(ks[0], (N_NODES, NFEATS), dtype=jnp.float32)
    edge_index = jax.random.randint(ks[1], (2, N_EDGES), 0, N_NODES, dtype=jnp.int32)
    Wp = jax.random.normal(ks[2], (NFEATS, PROJ), dtype=jnp.float32) / np.sqrt(NFEATS)
    bp = jnp.zeros((PROJ,), dtype=jnp.float32)
    W1 = jax.random.normal(ks[3], (NFEATS, NHIDS), dtype=jnp.float32) / np.sqrt(NFEATS)
    b1 = jnp.zeros((NHIDS,), dtype=jnp.float32)
    W2 = jax.random.normal(ks[4], (NHIDS + PROJ, NOUT), dtype=jnp.float32) / np.sqrt(NHIDS + PROJ)
    b2 = jnp.zeros((NOUT,), dtype=jnp.float32)
    return {"edge_index": edge_index, "x": x, "Wp": Wp, "bp": bp, "W1": W1, "b1": b1, "W2": W2, "b2": b2}


def reference(edge_index, x, Wp, bp, W1, b1, W2, b2):
    x_proj = x @ Wp + bp
    h = jax.nn.relu(_gcn_conv(x, edge_index, W1, b1))
    # dropout is identity in eval mode
    h = jnp.concatenate([h, x_proj], axis=1)
    out = _gcn_conv(h, edge_index, W2, b2)
    return out

if __name__ == "__main__":
    import jax
    _d = setup_inputs()
    print(jax.jit(kernel)(*tuple(_d.values())))

</pallas_src>

<mosaic_0001>
#map = affine_map<(d0, d1) -> (0, 0)>
#map1 = affine_map<(d0, d1) -> (0, 0, 0)>
module attributes {stable_mosaic.version = 14 : i64} {
  func.func @k(%arg0: i32, %arg1: i32, %arg2: memref<2x160000xi32, #tpu.memory_space<hbm>>, %arg3: memref<20000x128xf32, #tpu.memory_space<hbm>>, %arg4: memref<632x128xf32, #tpu.memory_space<hbm>>, %arg5: memref<2x10112x128xf32, #tpu.memory_space<hbm>>, %arg6: memref<2x128xi32, #tpu.memory_space<vmem>>, %arg7: memref<128xi32, #tpu.memory_space<vmem>>, %arg8: memref<128x128xf32, #tpu.memory_space<vmem>>, %arg9: memref<10112x128xf32, #tpu.memory_space<vmem_shared>>, %arg10: memref<!tpu.dma_semaphore, #tpu.memory_space<semaphore_mem>>) attributes {dimension_semantics = [#tpu.dimension_semantics<core_parallel>, #tpu.dimension_semantics<subcore_parallel>], iteration_bounds = array<i64: 2, 16>, scalar_prefetch = 0 : i64, scratch_operands = 5 : i64, tpu.core_type = #tpu.core_type<sc_vector_subcore>, window_params = [{transform_indices = #map}, {transform_indices = #map}, {transform_indices = #map}, {transform_indices = #map1}]} {
    %mul3A = arith.constant 10000 : i32
    %mul3A_0 = arith.muli %arg0, %mul3A : i32
    %mul3A_1 = arith.constant 632 : i32
    %mul3A_2 = arith.muli %arg1, %mul3A_1 : i32
    "tpu.region"() ({
      %run_scoped3A = tpu.sem_alloc : memref<!tpu.dma_semaphore, #tpu.memory_space<semaphore_mem>>
      %dma_start3A = arith.constant 0 : i32
      %dma_start3A_22 = tpu.memref_slice %arg9[%mul3A_2, %dma_start3A] : memref<10112x128xf32, #tpu.memory_space<vmem_shared>> -> memref<632x128xf32, #tpu.memory_space<vmem_shared>>
      tpu.enqueue_dma source(%arg4 : memref<632x128xf32, #tpu.memory_space<hbm>>) target(%dma_start3A_22 : memref<632x128xf32, #tpu.memory_space<vmem_shared>>) target_semaphore(%run_scoped3A : memref<!tpu.dma_semaphore, #tpu.memory_space<semaphore_mem>>)
      %dma_wait3A = arith.constant 0 : i32
      %dma_wait3A_23 = tpu.memref_slice %arg9[%mul3A_2, %dma_wait3A] : memref<10112x128xf32, #tpu.memory_space<vmem_shared>> -> memref<632x128xf32, #tpu.memory_space<vmem_shared>>
      tpu.wait_dma2 semaphore(%run_scoped3A : memref<!tpu.dma_semaphore, #tpu.memory_space<semaphore_mem>>) src(%arg4 : memref<632x128xf32, #tpu.memory_space<hbm>>) dst(%dma_wait3A_23 : memref<632x128xf32, #tpu.memory_space<vmem_shared>>)
      tpu.yield
    }) : () -> ()
    %barrier3A = arith.constant 0 : index
    tpu.barrier barrier_id(%barrier3A)
    %sub3A = arith.constant 1250 : i32
    %sub3A_3 = arith.subi %sub3A, %arg1 : i32
    %sub3A_4 = arith.constant 16 : i32
    %sub3A_5 = arith.constant 1 : i32
    %sub3A_6 = arith.subi %sub3A_4, %sub3A_5 : i32
    %add3A = arith.addi %sub3A_3, %sub3A_6 : i32
    %div3A = arith.constant 16 : i32
    %div3A_7 = arith.divsi %add3A, %div3A : i32
    %while3A = arith.constant 16 : i32
    %while3A_8 = arith.constant 0 : i32
    %while3A_9 = arith.subi %div3A_7, %while3A_8 : i32
    %while3A_10 = arith.addi %while3A_8, %while3A_9 : i32
    %while3A_11 = arith.constant 1 : i32
    %while3A_12 = arith.divsi %while3A_9, %while3A_11 : i32
    %while3A_13 = arith.muli %while3A_12, %while3A_11 : i32
    %while3A_14 = arith.addi %while3A_8, %while3A_13 : i32
    %while3A_15 = arith.constant 1 : i32
    scf.for %while3A_22 = %while3A_8 to %while3A_14 step %while3A_15  : i32 {
      %mul3A_23 = arith.muli %while3A_22, %while3A : i32
      %add3A_24 = arith.addi %arg1, %mul3A_23 : i32
      %mul3A_25 = arith.constant 128 : i32
      %mul3A_26 = arith.muli %add3A_24, %mul3A_25 : i32
      "tpu.region"() ({
        %run_scoped3A_117 = tpu.sem_alloc : memref<!tpu.dma_semaphore, #tpu.memory_space<semaphore_mem>>
        %dma_start3A_118 = arith.constant 0 : i32
        %dma_start3A_119 = tpu.memref_slice %arg2[%dma_start3A_118, %mul3A_26] : memref<2x160000xi32, #tpu.memory_space<hbm>> -> memref<2x128xi32, #tpu.memory_space<hbm>>
        %dma_start3A_120 = arith.constant 0 : i32
        %dma_start3A_121 = tpu.memref_slice %arg2[%dma_start3A_120, %mul3A_26] : memref<2x160000xi32, #tpu.memory_space<hbm>> -> memref<2x128xi32, #tpu.memory_space<hbm>>
        tpu.enqueue_dma source(%dma_start3A_121 : memref<2x128xi32, #tpu.memory_space<hbm>>) target(%arg6 : memref<2x128xi32, #tpu.memory_space<vmem>>) target_semaphore(%run_scoped3A_117 : memref<!tpu.dma_semaphore, #tpu.memory_space<semaphore_mem>>)
        %dma_wait3A_122 = arith.constant 0 : i32
        %dma_wait3A_123 = tpu.memref_slice %arg2[%dma_wait3A_122, %mul3A_26] : memref<2x160000xi32, #tpu.memory_space<hbm>> -> memref<2x128xi32, #tpu.memory_space<hbm>>
        %dma_wait3A_124 = arith.constant 0 : i32
        %dma_wait3A_125 = tpu.memref_slice %arg2[%dma_wait3A_124, %mul3A_26] : memref<2x160000xi32, #tpu.memory_space<hbm>> -> memref<2x128xi32, #tpu.memory_space<hbm>>
        tpu.wait_dma2 semaphore(%run_scoped3A_117 : memref<!tpu.dma_semaphore, #tpu.memory_space<semaphore_mem>>) src(%dma_wait3A_125 : memref<2x128xi32, #tpu.memory_space<hbm>>) dst(%arg6 : memref<2x128xi32, #tpu.memory_space<vmem>>)
        tpu.yield
      }) : () -> ()
      %get3A = arith.constant 0 : i32
      %get3A_27 = arith.index_cast %get3A : i32 to index
      %get3A_28 = arith.constant 0 : index
      %get3A_29 = tpu.vector_load %arg6[%get3A_27, %get3A_28] {strides = array<i32>} : memref<2x128xi32, #tpu.memory_space<vmem>>, vector<1x16xi32>,
      %get3A_30 = vector.shape_cast %get3A_29 : vector<1x16xi32> to vector<16xi32>
      %add3A_31 = vector.broadcast %mul3A_0 : i32 to vector<16xi32>
      %add3A_32 = arith.addi %get3A_30, %add3A_31 : vector<16xi32>
      %swap3A = arith.constant 0 : index
      %swap3A_33 = tpu.vector_load %arg7[%swap3A] {strides = array<i32>} : memref<128xi32, #tpu.memory_space<vmem>>, vector<16xi32>,
      %swap3A_34 = vector.shape_cast %swap3A_33 : vector<16xi32> to vector<16xi32>
      %swap3A_35 = vector.shape_cast %add3A_32 : vector<16xi32> to vector<16xi32>
      tpu.vector_store %arg7[%swap3A], %swap3A_35 {strides = array<i32>} : memref<128xi32, #tpu.memory_space<vmem>>, vector<16xi32>,
      %get3A_36 = arith.constant 0 : i32
      %get3A_37 = arith.index_cast %get3A_36 : i32 to index
      %get3A_38 = arith.constant 16 : index
      %get3A_39 = tpu.vector_load %arg6[%get3A_37, %get3A_38] {strides = array<i32>} : memref<2x128xi32, #tpu.memory_space<vmem>>, vector<1x16xi32>,
      %get3A_40 = vector.shape_cast %get3A_39 : vector<1x16xi32> to vector<16xi32>
      %add3A_41 = vector.broadcast %mul3A_0 : i32 to vector<16xi32>
      %add3A_42 = arith.addi %get3A_40, %add3A_41 : vector<16xi32>
      %swap3A_43 = arith.constant 16 : index
      %swap3A_44 = tpu.vector_load %arg7[%swap3A_43] {strides = array<i32>} : memref<128xi32, #tpu.memory_space<vmem>>, vector<16xi32>,
      %swap3A_45 = vector.shape_cast %swap3A_44 : vector<16xi32> to vector<16xi32>
      %swap3A_46 = vector.shape_cast %add3A_42 : vector<16xi32> to vector<16xi32>
      tpu.vector_store %arg7[%swap3A_43], %swap3A_46 {strides = array<i32>} : memref<128xi32, #tpu.memory_space<vmem>>, vector<16xi32>,
      %get3A_47 = arith.constant 0 : i32
      %get3A_48 = arith.index_cast %get3A_47 : i32 to index
      %get3A_49 = arith.constant 32 : index
      %get3A_50 = tpu.vector_load %arg6[%get3A_48, %get3A_49] {strides = array<i32>} : memref<2x128xi32, #tpu.memory_space<vmem>>, vector<1x16xi32>,
      %get3A_51 = vector.shape_cast %get3A_50 : vector<1x16xi32> to vector<16xi32>
      %add3A_52 = vector.broadcast %mul3A_0 : i32 to vector<16xi32>
      %add3A_53 = arith.addi %get3A_51, %add3A_52 : vector<16xi32>
      %swap3A_54 = arith.constant 32 : index
      %swap3A_55 = tpu.vector_load %arg7[%swap3A_54] {strides = array<i32>} : memref<128xi32, #tpu.memory_space<vmem>>, vector<16xi32>,
      %swap3A_56 = vector.shape_cast %swap3A_55 : vector<16xi32> to vector<16xi32>
      %swap3A_57 = vector.shape_cast %add3A_53 : vector<16xi32> to vector<16xi32>
      tpu.vector_store %arg7[%swap3A_54], %swap3A_57 {strides = array<i32>} : memref<128xi32, #tpu.memory_space<vmem>>, vector<16xi32>,
      %get3A_58 = arith.constant 0 : i32
      %get3A_59 = arith.index_cast %get3A_58 : i32 to index
      %get3A_60 = arith.constant 48 : index
      %get3A_61 = tpu.vector_load %arg6[%get3A_59, %get3A_60] {strides = array<i32>} : memref<2x128xi32, #tpu.memory_space<vmem>>, vector<1x16xi32>,
      %get3A_62 = vector.shape_cast %get3A_61 : vector<1x16xi32> to vector<16xi32>
      %add3A_63 = vector.broadcast %mul3A_0 : i32 to vector<16xi32>
      %add3A_64 = arith.addi %get3A_62, %add3A_63 : vector<16xi32>
      %swap3A_65 = arith.constant 48 : index
      %swap3A_66 = tpu.vector_load %arg7[%swap3A_65] {strides = array<i32>} : memref<128xi32, #tpu.memory_space<vmem>>, vector<16xi32>,
      %swap3A_67 = vector.shape_cast %swap3A_66 : vector<16xi32> to vector<16xi32>
      %swap3A_68 = vector.shape_cast %add3A_64 : vector<16xi32> to vector<16xi32>
      tpu.vector_store %arg7[%swap3A_65], %swap3A_68 {strides = array<i32>} : memref<128xi32, #tpu.memory_space<vmem>>, vector<16xi32>,
      %get3A_69 = arith.constant 0 : i32
      %get3A_70 = arith.index_cast %get3A_69 : i32 to index
      %get3A_71 = arith.constant 64 : index
      %get3A_72 = tpu.vector_load %arg6[%get3A_70, %get3A_71] {strides = array<i32>} : memref<2x128xi32, #tpu.memory_space<vmem>>, vector<1x16xi32>,
      %get3A_73 = vector.shape_cast %get3A_72 : vector<1x16xi32> to vector<16xi32>
      %add3A_74 = vector.broadcast %mul3A_0 : i32 to vector<16xi32>
      %add3A_75 = arith.addi %get3A_73, %add3A_74 : vector<16xi32>
      %swap3A_76 = arith.constant 64 : index
      %swap3A_77 = tpu.vector_load %arg7[%swap3A_76] {strides = array<i32>} : memref<128xi32, #tpu.memory_space<vmem>>, vector<16xi32>,
      %swap3A_78 = vector.shape_cast %swap3A_77 : vector<16xi32> to vector<16xi32>
      %swap3A_79 = vector.shape_cast %add3A_75 : vector<16xi32> to vector<16xi32>
      tpu.vector_store %arg7[%swap3A_76], %swap3A_79 {strides = array<i32>} : memref<128xi32, #tpu.memory_space<vmem>>, vector<16xi32>,
      %get3A_80 = arith.constant 0 : i32
      %get3A_81 = arith.index_cast %get3A_80 : i32 to index
      %get3A_82 = arith.constant 80 : index
      %get3A_83 = tpu.vector_load %arg6[%get3A_81, %get3A_82] {strides = array<i32>} : memref<2x128xi32, #tpu.memory_space<vmem>>, vector<1x16xi32>,
      %get3A_84 = vector.shape_cast %get3A_83 : vector<1x16xi32> to vector<16xi32>
      %add3A_85 = vector.broadcast %mul3A_0 : i32 to vector<16xi32>
      %add3A_86 = arith.addi %get3A_84, %add3A_85 : vector<16xi32>
      %swap3A_87 = arith.constant 80 : index
      %swap3A_88 = tpu.vector_load %arg7[%swap3A_87] {strides = array<i32>} : memref<128xi32, #tpu.memory_space<vmem>>, vector<16xi32>,
      %swap3A_89 = vector.shape_cast %swap3A_88 : vector<16xi32> to vector<16xi32>
      %swap3A_90 = vector.shape_cast %add3A_86 : vector<16xi32> to vector<16xi32>
      tpu.vector_store %arg7[%swap3A_87], %swap3A_90 {strides = array<i32>} : memref<128xi32, #tpu.memory_space<vmem>>, vector<16xi32>,
      %get3A_91 = arith.constant 0 : i32
      %get3A_92 = arith.index_cast %get3A_91 : i32 to index
      %get3A_93 = arith.constant 96 : index
      %get3A_94 = tpu.vector_load %arg6[%get3A_92, %get3A_93] {strides = array<i32>} : memref<2x128xi32, #tpu.memory_space<vmem>>, vector<1x16xi32>,
      %get3A_95 = vector.shape_cast %get3A_94 : vector<1x16xi32> to vector<16xi32>
      %add3A_96 = vector.broadcast %mul3A_0 : i32 to vector<16xi32>
      %add3A_97 = arith.addi %get3A_95, %add3A_96 : vector<16xi32>
      %swap3A_98 = arith.constant 96 : index
      %swap3A_99 = tpu.vector_load %arg7[%swap3A_98] {strides = array<i32>} : memref<128xi32, #tpu.memory_space<vmem>>, vector<16xi32>,
      %swap3A_100 = vector.shape_cast %swap3A_99 : vector<16xi32> to vector<16xi32>
      %swap3A_101 = vector.shape_cast %add3A_97 : vector<16xi32> to vector<16xi32>
      tpu.vector_store %arg7[%swap3A_98], %swap3A_101 {strides = array<i32>} : memref<128xi32, #tpu.memory_space<vmem>>, vector<16xi32>,
      %get3A_102 = arith.constant 0 : i32
      %get3A_103 = arith.index_cast %get3A_102 : i32 to index
      %get3A_104 = arith.constant 112 : index
      %get3A_105 = tpu.vector_load %arg6[%get3A_103, %get3A_104] {strides = array<i32>} : memref<2x128xi32, #tpu.memory_space<vmem>>, vector<1x16xi32>,
      %get3A_106 = vector.shape_cast %get3A_105 : vector<1x16xi32> to vector<16xi32>
      %add3A_107 = vector.broadcast %mul3A_0 : i32 to vector<16xi32>
      %add3A_108 = arith.addi %get3A_106, %add3A_107 : vector<16xi32>
      %swap3A_109 = arith.constant 112 : index
      %swap3A_110 = tpu.vector_load %arg7[%swap3A_109] {strides = array<i32>} : memref<128xi32, #tpu.memory_space<vmem>>, vector<16xi32>,
      %swap3A_111 = vector.shape_cast %swap3A_110 : vector<16xi32> to vector<16xi32>
      %swap3A_112 = vector.shape_cast %add3A_108 : vector<16xi32> to vector<16xi32>
      tpu.vector_store %arg7[%swap3A_109], %swap3A_112 {strides = array<i32>} : memref<128xi32, #tpu.memory_space<vmem>>, vector<16xi32>,
      %dma_start3A = arith.constant 0 : i32
      %dma_start3A_113 = arith.constant 0 : i32
      %dma_start3A_114 = tpu.memref_slice %arg3[%dma_start3A, %dma_start3A_113] : memref<20000x128xf32, #tpu.memory_space<hbm>> -> memref<20000x128xf32, #tpu.memory_space<hbm>>
      tpu.enqueue_indirect_dma source(%dma_start3A_114 : memref<20000x128xf32, #tpu.memory_space<hbm>>) target(%arg8 : memref<128x128xf32, #tpu.memory_space<vmem>>) offsets(%arg7 : memref<128xi32, #tpu.memory_space<vmem>>) semaphore(%arg10 : memref<!tpu.dma_semaphore, #tpu.memory_space<semaphore_mem>>)
      %dma_wait3A = arith.constant 0 : i32
      %dma_wait3A_115 = arith.constant 0 : i32
      %dma_wait3A_116 = tpu.memref_slice %arg3[%dma_wait3A, %dma_wait3A_115] : memref<20000x128xf32, #tpu.memory_space<hbm>> -> memref<20000x128xf32, #tpu.memory_space<hbm>>
      tpu.wait_indirect_dma semaphore(%arg10 : memref<!tpu.dma_semaphore, #tpu.memory_space<semaphore_mem>>) src(%dma_wait3A_116 : memref<20000x128xf32, #tpu.memory_space<hbm>>) dst(%arg8 : memref<128x128xf32, #tpu.memory_space<vmem>>)
      %run_scoped3A = arith.constant 1 : i32
      "tpu.region"() ({
        %run_scoped3A_117 = tpu.sem_alloc : memref<!tpu.dma_semaphore, #tpu.memory_space<semaphore_mem>>
        %dma_start3A_118 = arith.constant 0 : i32
        %dma_start3A_119 = tpu.memref_slice %arg6[%run_scoped3A, %dma_start3A_118] : memref<2x128xi32, #tpu.memory_space<vmem>> -> memref<1x128xi32, #tpu.memory_space<vmem>>
        %dma_start3A_120 = tpu.memref_squeeze %dma_start3A_119 : memref<1x128xi32, #tpu.memory_space<vmem>> -> memref<128xi32, #tpu.memory_space<vmem>>
        %dma_start3A_121 = arith.constant 0 : i32
        %dma_start3A_122 = arith.constant 0 : i32
        %dma_start3A_123 = tpu.memref_slice %arg9[%dma_start3A_121, %dma_start3A_122] : memref<10112x128xf32, #tpu.memory_space<vmem_shared>> -> memref<10112x128xf32, #tpu.memory_space<vmem_shared>>
        tpu.enqueue_indirect_dma source(%arg8 : memref<128x128xf32, #tpu.memory_space<vmem>>) target(%dma_start3A_123 : memref<10112x128xf32, #tpu.memory_space<vmem_shared>>) offsets(%dma_start3A_120 : memref<128xi32, #tpu.memory_space<vmem>>) semaphore(%run_scoped3A_117 : memref<!tpu.dma_semaphore, #tpu.memory_space<semaphore_mem>>) {add = true}
        %dma_wait3A_124 = arith.constant 0 : i32
        %dma_wait3A_125 = tpu.memref_slice %arg6[%run_scoped3A, %dma_wait3A_124] : memref<2x128xi32, #tpu.memory_space<vmem>> -> memref<1x128xi32, #tpu.memory_space<vmem>>
        %dma_wait3A_126 = tpu.memref_squeeze %dma_wait3A_125 : memref<1x128xi32, #tpu.memory_space<vmem>> -> memref<128xi32, #tpu.memory_space<vmem>>
        %dma_wait3A_127 = arith.constant 0 : i32
        %dma_wait3A_128 = arith.constant 0 : i32
        %dma_wait3A_129 = tpu.memref_slice %arg9[%dma_wait3A_127, %dma_wait3A_128] : memref<10112x128xf32, #tpu.memory_space<vmem_shared>> -> memref<10112x128xf32, #tpu.memory_space<vmem_shared>>
        tpu.wait_indirect_dma semaphore(%run_scoped3A_117 : memref<!tpu.dma_semaphore, #tpu.memory_space<semaphore_mem>>) src(%arg8 : memref<128x128xf32, #tpu.memory_space<vmem>>) dst(%dma_wait3A_129 : memref<10112x128xf32, #tpu.memory_space<vmem_shared>>)
        tpu.yield
      }) : () -> ()
    }
    %while3A_16 = arith.constant 1 : i32
    scf.for %while3A_22 = %while3A_14 to %while3A_10 step %while3A_16  : i32 {
      %mul3A_23 = arith.muli %while3A_22, %while3A : i32
      %add3A_24 = arith.addi %arg1, %mul3A_23 : i32
      %mul3A_25 = arith.constant 128 : i32
      %mul3A_26 = arith.muli %add3A_24, %mul3A_25 : i32
      "tpu.region"() ({
        %run_scoped3A_117 = tpu.sem_alloc : memref<!tpu.dma_semaphore, #tpu.memory_space<semaphore_mem>>
        %dma_start3A_118 = arith.constant 0 : i32
        %dma_start3A_119 = tpu.memref_slice %arg2[%dma_start3A_118, %mul3A_26] : memref<2x160000xi32, #tpu.memory_space<hbm>> -> memref<2x128xi32, #tpu.memory_space<hbm>>
        %dma_start3A_120 = arith.constant 0 : i32
        %dma_start3A_121 = tpu.memref_slice %arg2[%dma_start3A_120, %mul3A_26] : memref<2x160000xi32, #tpu.memory_space<hbm>> -> memref<2x128xi32, #tpu.memory_space<hbm>>
        tpu.enqueue_dma source(%dma_start3A_121 : memref<2x128xi32, #tpu.memory_space<hbm>>) target(%arg6 : memref<2x128xi32, #tpu.memory_space<vmem>>) target_semaphore(%run_scoped3A_117 : memref<!tpu.dma_semaphore, #tpu.memory_space<semaphore_mem>>)
        %dma_wait3A_122 = arith.constant 0 : i32
        %dma_wait3A_123 = tpu.memref_slice %arg2[%dma_wait3A_122, %mul3A_26] : memref<2x160000xi32, #tpu.memory_space<hbm>> -> memref<2x128xi32, #tpu.memory_space<hbm>>
        %dma_wait3A_124 = arith.constant 0 : i32
        %dma_wait3A_125 = tpu.memref_slice %arg2[%dma_wait3A_124, %mul3A_26] : memref<2x160000xi32, #tpu.memory_space<hbm>> -> memref<2x128xi32, #tpu.memory_space<hbm>>
        tpu.wait_dma2 semaphore(%run_scoped3A_117 : memref<!tpu.dma_semaphore, #tpu.memory_space<semaphore_mem>>) src(%dma_wait3A_125 : memref<2x128xi32, #tpu.memory_space<hbm>>) dst(%arg6 : memref<2x128xi32, #tpu.memory_space<vmem>>)
        tpu.yield
      }) : () -> ()
      %get3A = arith.constant 0 : i32
      %get3A_27 = arith.index_cast %get3A : i32 to index
      %get3A_28 = arith.constant 0 : index
      %get3A_29 = tpu.vector_load %arg6[%get3A_27, %get3A_28] {strides = array<i32>} : memref<2x128xi32, #tpu.memory_space<vmem>>, vector<1x16xi32>,
      %get3A_30 = vector.shape_cast %get3A_29 : vector<1x16xi32> to vector<16xi32>
      %add3A_31 = vector.broadcast %mul3A_0 : i32 to vector<16xi32>
      %add3A_32 = arith.addi %get3A_30, %add3A_31 : vector<16xi32>
      %swap3A = arith.constant 0 : index
      %swap3A_33 = tpu.vector_load %arg7[%swap3A] {strides = array<i32>} : memref<128xi32, #tpu.memory_space<vmem>>, vector<16xi32>,
      %swap3A_34 = vector.shape_cast %swap3A_33 : vector<16xi32> to vector<16xi32>
      %swap3A_35 = vector.shape_cast %add3A_32 : vector<16xi32> to vector<16xi32>
      tpu.vector_store %arg7[%swap3A], %swap3A_35 {strides = array<i32>} : memref<128xi32, #tpu.memory_space<vmem>>, vector<16xi32>,
      %get3A_36 = arith.constant 0 : i32
      %get3A_37 = arith.index_cast %get3A_36 : i32 to index
      %get3A_38 = arith.constant 16 : index
      %get3A_39 = tpu.vector_load %arg6[%get3A_37, %get3A_38] {strides = array<i32>} : memref<2x128xi32, #tpu.memory_space<vmem>>, vector<1x16xi32>,
      %get3A_40 = vector.shape_cast %get3A_39 : vector<1x16xi32> to vector<16xi32>
      %add3A_41 = vector.broadcast %mul3A_0 : i32 to vector<16xi32>
      %add3A_42 = arith.addi %get3A_40, %add3A_41 : vector<16xi32>
      %swap3A_43 = arith.constant 16 : index
      %swap3A_44 = tpu.vector_load %arg7[%swap3A_43] {strides = array<i32>} : memref<128xi32, #tpu.memory_space<vmem>>, vector<16xi32>,
      %swap3A_45 = vector.shape_cast %swap3A_44 : vector<16xi32> to vector<16xi32>
      %swap3A_46 = vector.shape_cast %add3A_42 : vector<16xi32> to vector<16xi32>
      tpu.vector_store %arg7[%swap3A_43], %swap3A_46 {strides = array<i32>} : memref<128xi32, #tpu.memory_space<vmem>>, vector<16xi32>,
      %get3A_47 = arith.constant 0 : i32
      %get3A_48 = arith.index_cast %get3A_47 : i32 to index
      %get3A_49 = arith.constant 32 : index
      %get3A_50 = tpu.vector_load %arg6[%get3A_48, %get3A_49] {strides = array<i32>} : memref<2x128xi32, #tpu.memory_space<vmem>>, vector<1x16xi32>,
      %get3A_51 = vector.shape_cast %get3A_50 : vector<1x16xi32> to vector<16xi32>
      %add3A_52 = vector.broadcast %mul3A_0 : i32 to vector<16xi32>
      %add3A_53 = arith.addi %get3A_51, %add3A_52 : vector<16xi32>
      %swap3A_54 = arith.constant 32 : index
      %swap3A_55 = tpu.vector_load %arg7[%swap3A_54] {strides = array<i32>} : memref<128xi32, #tpu.memory_space<vmem>>, vector<16xi32>,
      %swap3A_56 = vector.shape_cast %swap3A_55 : vector<16xi32> to vector<16xi32>
      %swap3A_57 = vector.shape_cast %add3A_53 : vector<16xi32> to vector<16xi32>
      tpu.vector_store %arg7[%swap3A_54], %swap3A_57 {strides = array<i32>} : memref<128xi32, #tpu.memory_space<vmem>>, vector<16xi32>,
      %get3A_58 = arith.constant 0 : i32
      %get3A_59 = arith.index_cast %get3A_58 : i32 to index
      %get3A_60 = arith.constant 48 : index
      %get3A_61 = tpu.vector_load %arg6[%get3A_59, %get3A_60] {strides = array<i32>} : memref<2x128xi32, #tpu.memory_space<vmem>>, vector<1x16xi32>,
      %get3A_62 = vector.shape_cast %get3A_61 : vector<1x16xi32> to vector<16xi32>
      %add3A_63 = vector.broadcast %mul3A_0 : i32 to vector<16xi32>
      %add3A_64 = arith.addi %get3A_62, %add3A_63 : vector<16xi32>
      %swap3A_65 = arith.constant 48 : index
      %swap3A_66 = tpu.vector_load %arg7[%swap3A_65] {strides = array<i32>} : memref<128xi32, #tpu.memory_space<vmem>>, vector<16xi32>,
      %swap3A_67 = vector.shape_cast %swap3A_66 : vector<16xi32> to vector<16xi32>
      %swap3A_68 = vector.shape_cast %add3A_64 : vector<16xi32> to vector<16xi32>
      tpu.vector_store %arg7[%swap3A_65], %swap3A_68 {strides = array<i32>} : memref<128xi32, #tpu.memory_space<vmem>>, vector<16xi32>,
      %get3A_69 = arith.constant 0 : i32
      %get3A_70 = arith.index_cast %get3A_69 : i32 to index
      %get3A_71 = arith.constant 64 : index
      %get3A_72 = tpu.vector_load %arg6[%get3A_70, %get3A_71] {strides = array<i32>} : memref<2x128xi32, #tpu.memory_space<vmem>>, vector<1x16xi32>,
      %get3A_73 = vector.shape_cast %get3A_72 : vector<1x16xi32> to vector<16xi32>
      %add3A_74 = vector.broadcast %mul3A_0 : i32 to vector<16xi32>
      %add3A_75 = arith.addi %get3A_73, %add3A_74 : vector<16xi32>
      %swap3A_76 = arith.constant 64 : index
      %swap3A_77 = tpu.vector_load %arg7[%swap3A_76] {strides = array<i32>} : memref<128xi32, #tpu.memory_space<vmem>>, vector<16xi32>,
      %swap3A_78 = vector.shape_cast %swap3A_77 : vector<16xi32> to vector<16xi32>
      %swap3A_79 = vector.shape_cast %add3A_75 : vector<16xi32> to vector<16xi32>
      tpu.vector_store %arg7[%swap3A_76], %swap3A_79 {strides = array<i32>} : memref<128xi32, #tpu.memory_space<vmem>>, vector<16xi32>,
      %get3A_80 = arith.constant 0 : i32
      %get3A_81 = arith.index_cast %get3A_80 : i32 to index
      %get3A_82 = arith.constant 80 : index
      %get3A_83 = tpu.vector_load %arg6[%get3A_81, %get3A_82] {strides = array<i32>} : memref<2x128xi32, #tpu.memory_space<vmem>>, vector<1x16xi32>,
      %get3A_84 = vector.shape_cast %get3A_83 : vector<1x16xi32> to vector<16xi32>
      %add3A_85 = vector.broadcast %mul3A_0 : i32 to vector<16xi32>
      %add3A_86 = arith.addi %get3A_84, %add3A_85 : vector<16xi32>
      %swap3A_87 = arith.constant 80 : index
      %swap3A_88 = tpu.vector_load %arg7[%swap3A_87] {strides = array<i32>} : memref<128xi32, #tpu.memory_space<vmem>>, vector<16xi32>,
      %swap3A_89 = vector.shape_cast %swap3A_88 : vector<16xi32> to vector<16xi32>
      %swap3A_90 = vector.shape_cast %add3A_86 : vector<16xi32> to vector<16xi32>
      tpu.vector_store %arg7[%swap3A_87], %swap3A_90 {strides = array<i32>} : memref<128xi32, #tpu.memory_space<vmem>>, vector<16xi32>,
      %get3A_91 = arith.constant 0 : i32
      %get3A_92 = arith.index_cast %get3A_91 : i32 to index
      %get3A_93 = arith.constant 96 : index
      %get3A_94 = tpu.vector_load %arg6[%get3A_92, %get3A_93] {strides = array<i32>} : memref<2x128xi32, #tpu.memory_space<vmem>>, vector<1x16xi32>,
      %get3A_95 = vector.shape_cast %get3A_94 : vector<1x16xi32> to vector<16xi32>
      %add3A_96 = vector.broadcast %mul3A_0 : i32 to vector<16xi32>
      %add3A_97 = arith.addi %get3A_95, %add3A_96 : vector<16xi32>
      %swap3A_98 = arith.constant 96 : index
      %swap3A_99 = tpu.vector_load %arg7[%swap3A_98] {strides = array<i32>} : memref<128xi32, #tpu.memory_space<vmem>>, vector<16xi32>,
      %swap3A_100 = vector.shape_cast %swap3A_99 : vector<16xi32> to vector<16xi32>
      %swap3A_101 = vector.shape_cast %add3A_97 : vector<16xi32> to vector<16xi32>
      tpu.vector_store %arg7[%swap3A_98], %swap3A_101 {strides = array<i32>} : memref<128xi32, #tpu.memory_space<vmem>>, vector<16xi32>,
      %get3A_102 = arith.constant 0 : i32
      %get3A_103 = arith.index_cast %get3A_102 : i32 to index
      %get3A_104 = arith.constant 112 : index
      %get3A_105 = tpu.vector_load %arg6[%get3A_103, %get3A_104] {strides = array<i32>} : memref<2x128xi32, #tpu.memory_space<vmem>>, vector<1x16xi32>,
      %get3A_106 = vector.shape_cast %get3A_105 : vector<1x16xi32> to vector<16xi32>
      %add3A_107 = vector.broadcast %mul3A_0 : i32 to vector<16xi32>
      %add3A_108 = arith.addi %get3A_106, %add3A_107 : vector<16xi32>
      %swap3A_109 = arith.constant 112 : index
      %swap3A_110 = tpu.vector_load %arg7[%swap3A_109] {strides = array<i32>} : memref<128xi32, #tpu.memory_space<vmem>>, vector<16xi32>,
      %swap3A_111 = vector.shape_cast %swap3A_110 : vector<16xi32> to vector<16xi32>
      %swap3A_112 = vector.shape_cast %add3A_108 : vector<16xi32> to vector<16xi32>
      tpu.vector_store %arg7[%swap3A_109], %swap3A_112 {strides = array<i32>} : memref<128xi32, #tpu.memory_space<vmem>>, vector<16xi32>,
      %dma_start3A = arith.constant 0 : i32
      %dma_start3A_113 = arith.constant 0 : i32
      %dma_start3A_114 = tpu.memref_slice %arg3[%dma_start3A, %dma_start3A_113] : memref<20000x128xf32, #tpu.memory_space<hbm>> -> memref<20000x128xf32, #tpu.memory_space<hbm>>
      tpu.enqueue_indirect_dma source(%dma_start3A_114 : memref<20000x128xf32, #tpu.memory_space<hbm>>) target(%arg8 : memref<128x128xf32, #tpu.memory_space<vmem>>) offsets(%arg7 : memref<128xi32, #tpu.memory_space<vmem>>) semaphore(%arg10 : memref<!tpu.dma_semaphore, #tpu.memory_space<semaphore_mem>>)
      %dma_wait3A = arith.constant 0 : i32
      %dma_wait3A_115 = arith.constant 0 : i32
      %dma_wait3A_116 = tpu.memref_slice %arg3[%dma_wait3A, %dma_wait3A_115] : memref<20000x128xf32, #tpu.memory_space<hbm>> -> memref<20000x128xf32, #tpu.memory_space<hbm>>
      tpu.wait_indirect_dma semaphore(%arg10 : memref<!tpu.dma_semaphore, #tpu.memory_space<semaphore_mem>>) src(%dma_wait3A_116 : memref<20000x128xf32, #tpu.memory_space<hbm>>) dst(%arg8 : memref<128x128xf32, #tpu.memory_space<vmem>>)
      %run_scoped3A = arith.constant 1 : i32
      "tpu.region"() ({
        %run_scoped3A_117 = tpu.sem_alloc : memref<!tpu.dma_semaphore, #tpu.memory_space<semaphore_mem>>
        %dma_start3A_118 = arith.constant 0 : i32
        %dma_start3A_119 = tpu.memref_slice %arg6[%run_scoped3A, %dma_start3A_118] : memref<2x128xi32, #tpu.memory_space<vmem>> -> memref<1x128xi32, #tpu.memory_space<vmem>>
        %dma_start3A_120 = tpu.memref_squeeze %dma_start3A_119 : memref<1x128xi32, #tpu.memory_space<vmem>> -> memref<128xi32, #tpu.memory_space<vmem>>
        %dma_start3A_121 = arith.constant 0 : i32
        %dma_start3A_122 = arith.constant 0 : i32
        %dma_start3A_123 = tpu.memref_slice %arg9[%dma_start3A_121, %dma_start3A_122] : memref<10112x128xf32, #tpu.memory_space<vmem_shared>> -> memref<10112x128xf32, #tpu.memory_space<vmem_shared>>
        tpu.enqueue_indirect_dma source(%arg8 : memref<128x128xf32, #tpu.memory_space<vmem>>) target(%dma_start3A_123 : memref<10112x128xf32, #tpu.memory_space<vmem_shared>>) offsets(%dma_start3A_120 : memref<128xi32, #tpu.memory_space<vmem>>) semaphore(%run_scoped3A_117 : memref<!tpu.dma_semaphore, #tpu.memory_space<semaphore_mem>>) {add = true}
        %dma_wait3A_124 = arith.constant 0 : i32
        %dma_wait3A_125 = tpu.memref_slice %arg6[%run_scoped3A, %dma_wait3A_124] : memref<2x128xi32, #tpu.memory_space<vmem>> -> memref<1x128xi32, #tpu.memory_space<vmem>>
        %dma_wait3A_126 = tpu.memref_squeeze %dma_wait3A_125 : memref<1x128xi32, #tpu.memory_space<vmem>> -> memref<128xi32, #tpu.memory_space<vmem>>
        %dma_wait3A_127 = arith.constant 0 : i32
        %dma_wait3A_128 = arith.constant 0 : i32
        %dma_wait3A_129 = tpu.memref_slice %arg9[%dma_wait3A_127, %dma_wait3A_128] : memref<10112x128xf32, #tpu.memory_space<vmem_shared>> -> memref<10112x128xf32, #tpu.memory_space<vmem_shared>>
        tpu.wait_indirect_dma semaphore(%run_scoped3A_117 : memref<!tpu.dma_semaphore, #tpu.memory_space<semaphore_mem>>) src(%arg8 : memref<128x128xf32, #tpu.memory_space<vmem>>) dst(%dma_wait3A_129 : memref<10112x128xf32, #tpu.memory_space<vmem_shared>>)
        tpu.yield
      }) : () -> ()
    }
    %barrier3A_17 = arith.constant 0 : index
    tpu.barrier barrier_id(%barrier3A_17)
    %mul3A_18 = arith.constant 632 : i32
    %mul3A_19 = arith.muli %arg1, %mul3A_18 : i32
    %mul3A_20 = arith.constant 632 : i32
    %mul3A_21 = arith.muli %arg1, %mul3A_20 : i32
    "tpu.region"() ({
      %run_scoped3A = tpu.sem_alloc : memref<!tpu.dma_semaphore, #tpu.memory_space<semaphore_mem>>
      %dma_start3A = arith.constant 0 : i32
      %dma_start3A_22 = tpu.memref_slice %arg5[%arg0, %mul3A_21, %dma_start3A] : memref<2x10112x128xf32, #tpu.memory_space<hbm>> -> memref<1x632x128xf32, #tpu.memory_space<hbm>>
      %dma_start3A_23 = tpu.memref_squeeze %dma_start3A_22 : memref<1x632x128xf32, #tpu.memory_space<hbm>> -> memref<632x128xf32, #tpu.memory_space<hbm>>
      %dma_start3A_24 = arith.constant 0 : i32
      %dma_start3A_25 = tpu.memref_slice %arg9[%mul3A_19, %dma_start3A_24] : memref<10112x128xf32, #tpu.memory_space<vmem_shared>> -> memref<632x128xf32, #tpu.memory_space<vmem_shared>>
      tpu.enqueue_dma source(%dma_start3A_25 : memref<632x128xf32, #tpu.memory_space<vmem_shared>>) target(%dma_start3A_23 : memref<632x128xf32, #tpu.memory_space<hbm>>) target_semaphore(%run_scoped3A : memref<!tpu.dma_semaphore, #tpu.memory_space<semaphore_mem>>)
      %dma_wait3A = arith.constant 0 : i32
      %dma_wait3A_26 = tpu.memref_slice %arg5[%arg0, %mul3A_21, %dma_wait3A] : memref<2x10112x128xf32, #tpu.memory_space<hbm>> -> memref<1x632x128xf32, #tpu.memory_space<hbm>>
      %dma_wait3A_27 = tpu.memref_squeeze %dma_wait3A_26 : memref<1x632x128xf32, #tpu.memory_space<hbm>> -> memref<632x128xf32, #tpu.memory_space<hbm>>
      %dma_wait3A_28 = arith.constant 0 : i32
      %dma_wait3A_29 = tpu.memref_slice %arg9[%mul3A_19, %dma_wait3A_28] : memref<10112x128xf32, #tpu.memory_space<vmem_shared>> -> memref<632x128xf32, #tpu.memory_space<vmem_shared>>
      tpu.wait_dma2 semaphore(%run_scoped3A : memref<!tpu.dma_semaphore, #tpu.memory_space<semaphore_mem>>) src(%dma_wait3A_29 : memref<632x128xf32, #tpu.memory_space<vmem_shared>>) dst(%dma_wait3A_27 : memref<632x128xf32, #tpu.memory_space<hbm>>)
      tpu.yield
    }) : () -> ()
    return
  }
}

#map = affine_map<(d0, d1) -> (0, 0)>
#map1 = affine_map<(d0, d1) -> (0, 0, 0)>
module attributes {stable_mosaic.version = 14 : i64} {
  func.func @k(%arg0: i32, %arg1: i32, %arg2: memref<1280x128xi32, #tpu.memory_space<hbm>>, %arg3: memref<128x128xf32, #tpu.memory_space<hbm>>, %arg4: memref<632x128xf32, #tpu.memory_space<hbm>>, %arg5: memref<2x10112x128xf32, #tpu.memory_space<hbm>>, %arg6: memref<128x128xf32, #tpu.memory_space<vmem>>, %arg7: memref<40x128xi32, #tpu.memory_space<vmem>>, %arg8: memref<10112x128xf32, #tpu.memory_space<vmem_shared>>, %arg9: memref<!tpu.dma_semaphore, #tpu.memory_space<semaphore_mem>>, %arg10: memref<!tpu.dma_semaphore, #tpu.memory_space<semaphore_mem>>) attributes {dimension_semantics = [#tpu.dimension_semantics<core_parallel>, #tpu.dimension_semantics<subcore_parallel>], iteration_bounds = array<i64: 2, 16>, scalar_prefetch = 0 : i64, scratch_operands = 5 : i64, tpu.core_type = #tpu.core_type<sc_vector_subcore>, window_params = [{transform_indices = #map}, {transform_indices = #map}, {transform_indices = #map}, {transform_indices = #map1}]} {
    %mul3A = arith.constant 16 : i32
    %mul3A_0 = arith.muli %arg0, %mul3A : i32
    %add3A = arith.addi %mul3A_0, %arg1 : i32
    %mul3A_1 = arith.constant 40 : i32
    %mul3A_2 = arith.muli %add3A, %mul3A_1 : i32
    "tpu.region"() ({
      %run_scoped3A = tpu.sem_alloc : memref<!tpu.dma_semaphore, #tpu.memory_space<semaphore_mem>>
      tpu.enqueue_dma source(%arg3 : memref<128x128xf32, #tpu.memory_space<hbm>>) target(%arg6 : memref<128x128xf32, #tpu.memory_space<vmem>>) target_semaphore(%run_scoped3A : memref<!tpu.dma_semaphore, #tpu.memory_space<semaphore_mem>>)
      tpu.wait_dma2 semaphore(%run_scoped3A : memref<!tpu.dma_semaphore, #tpu.memory_space<semaphore_mem>>) src(%arg3 : memref<128x128xf32, #tpu.memory_space<hbm>>) dst(%arg6 : memref<128x128xf32, #tpu.memory_space<vmem>>)
      tpu.yield
    }) : () -> ()
    "tpu.region"() ({
      %run_scoped3A = tpu.sem_alloc : memref<!tpu.dma_semaphore, #tpu.memory_space<semaphore_mem>>
      %dma_start3A = arith.constant 0 : i32
      %dma_start3A_19 = tpu.memref_slice %arg2[%mul3A_2, %dma_start3A] : memref<1280x128xi32, #tpu.memory_space<hbm>> -> memref<40x128xi32, #tpu.memory_space<hbm>>
      %dma_start3A_20 = arith.constant 0 : i32
      %dma_start3A_21 = tpu.memref_slice %arg2[%mul3A_2, %dma_start3A_20] : memref<1280x128xi32, #tpu.memory_space<hbm>> -> memref<40x128xi32, #tpu.memory_space<hbm>>
      tpu.enqueue_dma source(%dma_start3A_21 : memref<40x128xi32, #tpu.memory_space<hbm>>) target(%arg7 : memref<40x128xi32, #tpu.memory_space<vmem>>) target_semaphore(%run_scoped3A : memref<!tpu.dma_semaphore, #tpu.memory_space<semaphore_mem>>)
      %dma_wait3A = arith.constant 0 : i32
      %dma_wait3A_22 = tpu.memref_slice %arg2[%mul3A_2, %dma_wait3A] : memref<1280x128xi32, #tpu.memory_space<hbm>> -> memref<40x128xi32, #tpu.memory_space<hbm>>
      %dma_wait3A_23 = arith.constant 0 : i32
      %dma_wait3A_24 = tpu.memref_slice %arg2[%mul3A_2, %dma_wait3A_23] : memref<1280x128xi32, #tpu.memory_space<hbm>> -> memref<40x128xi32, #tpu.memory_space<hbm>>
      tpu.wait_dma2 semaphore(%run_scoped3A : memref<!tpu.dma_semaphore, #tpu.memory_space<semaphore_mem>>) src(%dma_wait3A_24 : memref<40x128xi32, #tpu.memory_space<hbm>>) dst(%arg7 : memref<40x128xi32, #tpu.memory_space<vmem>>)
      tpu.yield
    }) : () -> ()
    %mul3A_3 = arith.constant 632 : i32
    %mul3A_4 = arith.muli %arg1, %mul3A_3 : i32
    "tpu.region"() ({
      %run_scoped3A = tpu.sem_alloc : memref<!tpu.dma_semaphore, #tpu.memory_space<semaphore_mem>>
      %dma_start3A = arith.constant 0 : i32
      %dma_start3A_19 = tpu.memref_slice %arg8[%mul3A_4, %dma_start3A] : memref<10112x128xf32, #tpu.memory_space<vmem_shared>> -> memref<632x128xf32, #tpu.memory_space<vmem_shared>>
      tpu.enqueue_dma source(%arg4 : memref<632x128xf32, #tpu.memory_space<hbm>>) target(%dma_start3A_19 : memref<632x128xf32, #tpu.memory_space<vmem_shared>>) target_semaphore(%run_scoped3A : memref<!tpu.dma_semaphore, #tpu.memory_space<semaphore_mem>>)
      %dma_wait3A = arith.constant 0 : i32
      %dma_wait3A_20 = tpu.memref_slice %arg8[%mul3A_4, %dma_wait3A] : memref<10112x128xf32, #tpu.memory_space<vmem_shared>> -> memref<632x128xf32, #tpu.memory_space<vmem_shared>>
      tpu.wait_dma2 semaphore(%run_scoped3A : memref<!tpu.dma_semaphore, #tpu.memory_space<semaphore_mem>>) src(%arg4 : memref<632x128xf32, #tpu.memory_space<hbm>>) dst(%dma_wait3A_20 : memref<632x128xf32, #tpu.memory_space<vmem_shared>>)
      tpu.yield
    }) : () -> ()
    %barrier3A = arith.constant 0 : index
    tpu.barrier barrier_id(%barrier3A)
    %scan3A = arith.constant 0 : i32
    %scan3A_5 = arith.constant 40 : i32
    %scan3A_6 = arith.addi %scan3A, %scan3A_5 : i32
    %scan3A_7 = arith.constant 1 : i32
    scf.for %scan3A_19 = %scan3A to %scan3A_6 step %scan3A_7  : i32 {
      %mul3A_20 = arith.constant 1 : i32
      %mul3A_21 = arith.muli %scan3A_19, %mul3A_20 : i32
      %add3A_22 = arith.constant 0 : i32
      %add3A_23 = arith.addi %add3A_22, %mul3A_21 : i32
      %dma_start3A = arith.constant 0 : i32
      %dma_start3A_24 = tpu.memref_slice %arg7[%add3A_23, %dma_start3A] : memref<40x128xi32, #tpu.memory_space<vmem>> -> memref<1x128xi32, #tpu.memory_space<vmem>>
      %dma_start3A_25 = tpu.memref_squeeze %dma_start3A_24 : memref<1x128xi32, #tpu.memory_space<vmem>> -> memref<128xi32, #tpu.memory_space<vmem>>
      %dma_start3A_26 = arith.constant 0 : i32
      %dma_start3A_27 = arith.constant 0 : i32
      %dma_start3A_28 = tpu.memref_slice %arg8[%dma_start3A_26, %dma_start3A_27] : memref<10112x128xf32, #tpu.memory_space<vmem_shared>> -> memref<10112x128xf32, #tpu.memory_space<vmem_shared>>
      tpu.enqueue_indirect_dma source(%arg6 : memref<128x128xf32, #tpu.memory_space<vmem>>) target(%dma_start3A_28 : memref<10112x128xf32, #tpu.memory_space<vmem_shared>>) offsets(%dma_start3A_25 : memref<128xi32, #tpu.memory_space<vmem>>) semaphore(%arg10 : memref<!tpu.dma_semaphore, #tpu.memory_space<semaphore_mem>>) {add = true}
    }
    %scan3A_8 = arith.constant 40 : i32
    %scan3A_9 = arith.constant 0 : i32
    %scan3A_10 = arith.constant 40 : i32
    %scan3A_11 = arith.addi %scan3A_9, %scan3A_10 : i32
    %scan3A_12 = arith.constant 1 : i32
    scf.for %scan3A_19 = %scan3A_9 to %scan3A_11 step %scan3A_12  : i32 {
      %mul3A_20 = arith.constant 1 : i32
      %mul3A_21 = arith.muli %scan3A_19, %mul3A_20 : i32
      %add3A_22 = arith.constant 0 : i32
      %add3A_23 = arith.addi %add3A_22, %mul3A_21 : i32
      %dma_wait3A = arith.constant 0 : i32
      %dma_wait3A_24 = tpu.memref_slice %arg7[%add3A_23, %dma_wait3A] : memref<40x128xi32, #tpu.memory_space<vmem>> -> memref<1x128xi32, #tpu.memory_space<vmem>>
      %dma_wait3A_25 = tpu.memref_squeeze %dma_wait3A_24 : memref<1x128xi32, #tpu.memory_space<vmem>> -> memref<128xi32, #tpu.memory_space<vmem>>
      %dma_wait3A_26 = arith.constant 0 : i32
      %dma_wait3A_27 = arith.constant 0 : i32
      %dma_wait3A_28 = tpu.memref_slice %arg8[%dma_wait3A_26, %dma_wait3A_27] : memref<10112x128xf32, #tpu.memory_space<vmem_shared>> -> memref<10112x128xf32, #tpu.memory_space<vmem_shared>>
      tpu.wait_indirect_dma semaphore(%arg10 : memref<!tpu.dma_semaphore, #tpu.memory_space<semaphore_mem>>) src(%arg6 : memref<128x128xf32, #tpu.memory_space<vmem>>) dst(%dma_wait3A_28 : memref<10112x128xf32, #tpu.memory_space<vmem_shared>>)
    }
    %scan3A_13 = arith.constant 40 : i32
    %barrier3A_14 = arith.constant 0 : index
    tpu.barrier barrier_id(%barrier3A_14)
    %mul3A_15 = arith.constant 632 : i32
    %mul3A_16 = arith.muli %arg1, %mul3A_15 : i32
    %mul3A_17 = arith.constant 632 : i32
    %mul3A_18 = arith.muli %arg1, %mul3A_17 : i32
    "tpu.region"() ({
      %run_scoped3A = tpu.sem_alloc : memref<!tpu.dma_semaphore, #tpu.memory_space<semaphore_mem>>
      %dma_start3A = arith.constant 0 : i32
      %dma_start3A_19 = tpu.memref_slice %arg5[%arg0, %mul3A_18, %dma_start3A] : memref<2x10112x128xf32, #tpu.memory_space<hbm>> -> memref<1x632x128xf32, #tpu.memory_space<hbm>>
      %dma_start3A_20 = tpu.memref_squeeze %dma_start3A_19 : memref<1x632x128xf32, #tpu.memory_space<hbm>> -> memref<632x128xf32, #tpu.memory_space<hbm>>
      %dma_start3A_21 = arith.constant 0 : i32
      %dma_start3A_22 = tpu.memref_slice %arg8[%mul3A_16, %dma_start3A_21] : memref<10112x128xf32, #tpu.memory_space<vmem_shared>> -> memref<632x128xf32, #tpu.memory_space<vmem_shared>>
      tpu.enqueue_dma source(%dma_start3A_22 : memref<632x128xf32, #tpu.memory_space<vmem_shared>>) target(%dma_start3A_20 : memref<632x128xf32, #tpu.memory_space<hbm>>) target_semaphore(%run_scoped3A : memref<!tpu.dma_semaphore, #tpu.memory_space<semaphore_mem>>)
      %dma_wait3A = arith.constant 0 : i32
      %dma_wait3A_23 = tpu.memref_slice %arg5[%arg0, %mul3A_18, %dma_wait3A] : memref<2x10112x128xf32, #tpu.memory_space<hbm>> -> memref<1x632x128xf32, #tpu.memory_space<hbm>>
      %dma_wait3A_24 = tpu.memref_squeeze %dma_wait3A_23 : memref<1x632x128xf32, #tpu.memory_space<hbm>> -> memref<632x128xf32, #tpu.memory_space<hbm>>
      %dma_wait3A_25 = arith.constant 0 : i32
      %dma_wait3A_26 = tpu.memref_slice %arg8[%mul3A_16, %dma_wait3A_25] : memref<10112x128xf32, #tpu.memory_space<vmem_shared>> -> memref<632x128xf32, #tpu.memory_space<vmem_shared>>
      tpu.wait_dma2 semaphore(%run_scoped3A : memref<!tpu.dma_semaphore, #tpu.memory_space<semaphore_mem>>) src(%dma_wait3A_26 : memref<632x128xf32, #tpu.memory_space<vmem_shared>>) dst(%dma_wait3A_24 : memref<632x128xf32, #tpu.memory_space<hbm>>)
      tpu.yield
    }) : () -> ()
    return
  }
}

#map = affine_map<(d0, d1) -> (0, 0)>
#map1 = affine_map<(d0, d1) -> (0, 0, 0)>
module attributes {stable_mosaic.version = 14 : i64} {
  func.func @k(%arg0: i32, %arg1: i32, %arg2: memref<2x160000xi32, #tpu.memory_space<hbm>>, %arg3: memref<20000x128xf32, #tpu.memory_space<hbm>>, %arg4: memref<632x128xf32, #tpu.memory_space<hbm>>, %arg5: memref<2x10112x128xf32, #tpu.memory_space<hbm>>, %arg6: memref<2x128xi32, #tpu.memory_space<vmem>>, %arg7: memref<128xi32, #tpu.memory_space<vmem>>, %arg8: memref<128x128xf32, #tpu.memory_space<vmem>>, %arg9: memref<10112x128xf32, #tpu.memory_space<vmem_shared>>, %arg10: memref<!tpu.dma_semaphore, #tpu.memory_space<semaphore_mem>>) attributes {dimension_semantics = [#tpu.dimension_semantics<core_parallel>, #tpu.dimension_semantics<subcore_parallel>], iteration_bounds = array<i64: 2, 16>, scalar_prefetch = 0 : i64, scratch_operands = 5 : i64, tpu.core_type = #tpu.core_type<sc_vector_subcore>, window_params = [{transform_indices = #map}, {transform_indices = #map}, {transform_indices = #map}, {transform_indices = #map1}]} {
    %mul3A = arith.constant 10000 : i32
    %mul3A_0 = arith.muli %arg0, %mul3A : i32
    %mul3A_1 = arith.constant 632 : i32
    %mul3A_2 = arith.muli %arg1, %mul3A_1 : i32
    "tpu.region"() ({
      %run_scoped3A = tpu.sem_alloc : memref<!tpu.dma_semaphore, #tpu.memory_space<semaphore_mem>>
      %dma_start3A = arith.constant 0 : i32
      %dma_start3A_22 = tpu.memref_slice %arg9[%mul3A_2, %dma_start3A] : memref<10112x128xf32, #tpu.memory_space<vmem_shared>> -> memref<632x128xf32, #tpu.memory_space<vmem_shared>>
      tpu.enqueue_dma source(%arg4 : memref<632x128xf32, #tpu.memory_space<hbm>>) target(%dma_start3A_22 : memref<632x128xf32, #tpu.memory_space<vmem_shared>>) target_semaphore(%run_scoped3A : memref<!tpu.dma_semaphore, #tpu.memory_space<semaphore_mem>>)
      %dma_wait3A = arith.constant 0 : i32
      %dma_wait3A_23 = tpu.memref_slice %arg9[%mul3A_2, %dma_wait3A] : memref<10112x128xf32, #tpu.memory_space<vmem_shared>> -> memref<632x128xf32, #tpu.memory_space<vmem_shared>>
      tpu.wait_dma2 semaphore(%run_scoped3A : memref<!tpu.dma_semaphore, #tpu.memory_space<semaphore_mem>>) src(%arg4 : memref<632x128xf32, #tpu.memory_space<hbm>>) dst(%dma_wait3A_23 : memref<632x128xf32, #tpu.memory_space<vmem_shared>>)
      tpu.yield
    }) : () -> ()
    %barrier3A = arith.constant 0 : index
    tpu.barrier barrier_id(%barrier3A)
    %sub3A = arith.constant 1250 : i32
    %sub3A_3 = arith.subi %sub3A, %arg1 : i32
    %sub3A_4 = arith.constant 16 : i32
    %sub3A_5 = arith.constant 1 : i32
    %sub3A_6 = arith.subi %sub3A_4, %sub3A_5 : i32
    %add3A = arith.addi %sub3A_3, %sub3A_6 : i32
    %div3A = arith.constant 16 : i32
    %div3A_7 = arith.divsi %add3A, %div3A : i32
    %while3A = arith.constant 16 : i32
    %while3A_8 = arith.constant 0 : i32
    %while3A_9 = arith.subi %div3A_7, %while3A_8 : i32
    %while3A_10 = arith.addi %while3A_8, %while3A_9 : i32
    %while3A_11 = arith.constant 1 : i32
    %while3A_12 = arith.divsi %while3A_9, %while3A_11 : i32
    %while3A_13 = arith.muli %while3A_12, %while3A_11 : i32
    %while3A_14 = arith.addi %while3A_8, %while3A_13 : i32
    %while3A_15 = arith.constant 1 : i32
    scf.for %while3A_22 = %while3A_8 to %while3A_14 step %while3A_15  : i32 {
      %mul3A_23 = arith.muli %while3A_22, %while3A : i32
      %add3A_24 = arith.addi %arg1, %mul3A_23 : i32
      %mul3A_25 = arith.constant 128 : i32
      %mul3A_26 = arith.muli %add3A_24, %mul3A_25 : i32
      "tpu.region"() ({
        %run_scoped3A_117 = tpu.sem_alloc : memref<!tpu.dma_semaphore, #tpu.memory_space<semaphore_mem>>
        %dma_start3A_118 = arith.constant 0 : i32
        %dma_start3A_119 = tpu.memref_slice %arg2[%dma_start3A_118, %mul3A_26] : memref<2x160000xi32, #tpu.memory_space<hbm>> -> memref<2x128xi32, #tpu.memory_space<hbm>>
        %dma_start3A_120 = arith.constant 0 : i32
        %dma_start3A_121 = tpu.memref_slice %arg2[%dma_start3A_120, %mul3A_26] : memref<2x160000xi32, #tpu.memory_space<hbm>> -> memref<2x128xi32, #tpu.memory_space<hbm>>
        tpu.enqueue_dma source(%dma_start3A_121 : memref<2x128xi32, #tpu.memory_space<hbm>>) target(%arg6 : memref<2x128xi32, #tpu.memory_space<vmem>>) target_semaphore(%run_scoped3A_117 : memref<!tpu.dma_semaphore, #tpu.memory_space<semaphore_mem>>)
        %dma_wait3A_122 = arith.constant 0 : i32
        %dma_wait3A_123 = tpu.memref_slice %arg2[%dma_wait3A_122, %mul3A_26] : memref<2x160000xi32, #tpu.memory_space<hbm>> -> memref<2x128xi32, #tpu.memory_space<hbm>>
        %dma_wait3A_124 = arith.constant 0 : i32
        %dma_wait3A_125 = tpu.memref_slice %arg2[%dma_wait3A_124, %mul3A_26] : memref<2x160000xi32, #tpu.memory_space<hbm>> -> memref<2x128xi32, #tpu.memory_space<hbm>>
        tpu.wait_dma2 semaphore(%run_scoped3A_117 : memref<!tpu.dma_semaphore, #tpu.memory_space<semaphore_mem>>) src(%dma_wait3A_125 : memref<2x128xi32, #tpu.memory_space<hbm>>) dst(%arg6 : memref<2x128xi32, #tpu.memory_space<vmem>>)
        tpu.yield
      }) : () -> ()
      %get3A = arith.constant 0 : i32
      %get3A_27 = arith.index_cast %get3A : i32 to index
      %get3A_28 = arith.constant 0 : index
      %get3A_29 = tpu.vector_load %arg6[%get3A_27, %get3A_28] {strides = array<i32>} : memref<2x128xi32, #tpu.memory_space<vmem>>, vector<1x16xi32>,
      %get3A_30 = vector.shape_cast %get3A_29 : vector<1x16xi32> to vector<16xi32>
      %add3A_31 = vector.broadcast %mul3A_0 : i32 to vector<16xi32>
      %add3A_32 = arith.addi %get3A_30, %add3A_31 : vector<16xi32>
      %swap3A = arith.constant 0 : index
      %swap3A_33 = tpu.vector_load %arg7[%swap3A] {strides = array<i32>} : memref<128xi32, #tpu.memory_space<vmem>>, vector<16xi32>,
      %swap3A_34 = vector.shape_cast %swap3A_33 : vector<16xi32> to vector<16xi32>
      %swap3A_35 = vector.shape_cast %add3A_32 : vector<16xi32> to vector<16xi32>
      tpu.vector_store %arg7[%swap3A], %swap3A_35 {strides = array<i32>} : memref<128xi32, #tpu.memory_space<vmem>>, vector<16xi32>,
      %get3A_36 = arith.constant 0 : i32
      %get3A_37 = arith.index_cast %get3A_36 : i32 to index
      %get3A_38 = arith.constant 16 : index
      %get3A_39 = tpu.vector_load %arg6[%get3A_37, %get3A_38] {strides = array<i32>} : memref<2x128xi32, #tpu.memory_space<vmem>>, vector<1x16xi32>,
      %get3A_40 = vector.shape_cast %get3A_39 : vector<1x16xi32> to vector<16xi32>
      %add3A_41 = vector.broadcast %mul3A_0 : i32 to vector<16xi32>
      %add3A_42 = arith.addi %get3A_40, %add3A_41 : vector<16xi32>
      %swap3A_43 = arith.constant 16 : index
      %swap3A_44 = tpu.vector_load %arg7[%swap3A_43] {strides = array<i32>} : memref<128xi32, #tpu.memory_space<vmem>>, vector<16xi32>,
      %swap3A_45 = vector.shape_cast %swap3A_44 : vector<16xi32> to vector<16xi32>
      %swap3A_46 = vector.shape_cast %add3A_42 : vector<16xi32> to vector<16xi32>
      tpu.vector_store %arg7[%swap3A_43], %swap3A_46 {strides = array<i32>} : memref<128xi32, #tpu.memory_space<vmem>>, vector<16xi32>,
      %get3A_47 = arith.constant 0 : i32
      %get3A_48 = arith.index_cast %get3A_47 : i32 to index
      %get3A_49 = arith.constant 32 : index
      %get3A_50 = tpu.vector_load %arg6[%get3A_48, %get3A_49] {strides = array<i32>} : memref<2x128xi32, #tpu.memory_space<vmem>>, vector<1x16xi32>,
      %get3A_51 = vector.shape_cast %get3A_50 : vector<1x16xi32> to vector<16xi32>
      %add3A_52 = vector.broadcast %mul3A_0 : i32 to vector<16xi32>
      %add3A_53 = arith.addi %get3A_51, %add3A_52 : vector<16xi32>
      %swap3A_54 = arith.constant 32 : index
      %swap3A_55 = tpu.vector_load %arg7[%swap3A_54] {strides = array<i32>} : memref<128xi32, #tpu.memory_space<vmem>>, vector<16xi32>,
      %swap3A_56 = vector.shape_cast %swap3A_55 : vector<16xi32> to vector<16xi32>
      %swap3A_57 = vector.shape_cast %add3A_53 : vector<16xi32> to vector<16xi32>
      tpu.vector_store %arg7[%swap3A_54], %swap3A_57 {strides = array<i32>} : memref<128xi32, #tpu.memory_space<vmem>>, vector<16xi32>,
      %get3A_58 = arith.constant 0 : i32
      %get3A_59 = arith.index_cast %get3A_58 : i32 to index
      %get3A_60 = arith.constant 48 : index
      %get3A_61 = tpu.vector_load %arg6[%get3A_59, %get3A_60] {strides = array<i32>} : memref<2x128xi32, #tpu.memory_space<vmem>>, vector<1x16xi32>,
      %get3A_62 = vector.shape_cast %get3A_61 : vector<1x16xi32> to vector<16xi32>
      %add3A_63 = vector.broadcast %mul3A_0 : i32 to vector<16xi32>
      %add3A_64 = arith.addi %get3A_62, %add3A_63 : vector<16xi32>
      %swap3A_65 = arith.constant 48 : index
      %swap3A_66 = tpu.vector_load %arg7[%swap3A_65] {strides = array<i32>} : memref<128xi32, #tpu.memory_space<vmem>>, vector<16xi32>,
      %swap3A_67 = vector.shape_cast %swap3A_66 : vector<16xi32> to vector<16xi32>
      %swap3A_68 = vector.shape_cast %add3A_64 : vector<16xi32> to vector<16xi32>
      tpu.vector_store %arg7[%swap3A_65], %swap3A_68 {strides = array<i32>} : memref<128xi32, #tpu.memory_space<vmem>>, vector<16xi32>,
      %get3A_69 = arith.constant 0 : i32
      %get3A_70 = arith.index_cast %get3A_69 : i32 to index
      %get3A_71 = arith.constant 64 : index
      %get3A_72 = tpu.vector_load %arg6[%get3A_70, %get3A_71] {strides = array<i32>} : memref<2x128xi32, #tpu.memory_space<vmem>>, vector<1x16xi32>,
      %get3A_73 = vector.shape_cast %get3A_72 : vector<1x16xi32> to vector<16xi32>
      %add3A_74 = vector.broadcast %mul3A_0 : i32 to vector<16xi32>
      %add3A_75 = arith.addi %get3A_73, %add3A_74 : vector<16xi32>
      %swap3A_76 = arith.constant 64 : index
      %swap3A_77 = tpu.vector_load %arg7[%swap3A_76] {strides = array<i32>} : memref<128xi32, #tpu.memory_space<vmem>>, vector<16xi32>,
      %swap3A_78 = vector.shape_cast %swap3A_77 : vector<16xi32> to vector<16xi32>
      %swap3A_79 = vector.shape_cast %add3A_75 : vector<16xi32> to vector<16xi32>
      tpu.vector_store %arg7[%swap3A_76], %swap3A_79 {strides = array<i32>} : memref<128xi32, #tpu.memory_space<vmem>>, vector<16xi32>,
      %get3A_80 = arith.constant 0 : i32
      %get3A_81 = arith.index_cast %get3A_80 : i32 to index
      %get3A_82 = arith.constant 80 : index
      %get3A_83 = tpu.vector_load %arg6[%get3A_81, %get3A_82] {strides = array<i32>} : memref<2x128xi32, #tpu.memory_space<vmem>>, vector<1x16xi32>,
      %get3A_84 = vector.shape_cast %get3A_83 : vector<1x16xi32> to vector<16xi32>
      %add3A_85 = vector.broadcast %mul3A_0 : i32 to vector<16xi32>
      %add3A_86 = arith.addi %get3A_84, %add3A_85 : vector<16xi32>
      %swap3A_87 = arith.constant 80 : index
      %swap3A_88 = tpu.vector_load %arg7[%swap3A_87] {strides = array<i32>} : memref<128xi32, #tpu.memory_space<vmem>>, vector<16xi32>,
      %swap3A_89 = vector.shape_cast %swap3A_88 : vector<16xi32> to vector<16xi32>
      %swap3A_90 = vector.shape_cast %add3A_86 : vector<16xi32> to vector<16xi32>
      tpu.vector_store %arg7[%swap3A_87], %swap3A_90 {strides = array<i32>} : memref<128xi32, #tpu.memory_space<vmem>>, vector<16xi32>,
      %get3A_91 = arith.constant 0 : i32
      %get3A_92 = arith.index_cast %get3A_91 : i32 to index
      %get3A_93 = arith.constant 96 : index
      %get3A_94 = tpu.vector_load %arg6[%get3A_92, %get3A_93] {strides = array<i32>} : memref<2x128xi32, #tpu.memory_space<vmem>>, vector<1x16xi32>,
      %get3A_95 = vector.shape_cast %get3A_94 : vector<1x16xi32> to vector<16xi32>
      %add3A_96 = vector.broadcast %mul3A_0 : i32 to vector<16xi32>
      %add3A_97 = arith.addi %get3A_95, %add3A_96 : vector<16xi32>
      %swap3A_98 = arith.constant 96 : index
      %swap3A_99 = tpu.vector_load %arg7[%swap3A_98] {strides = array<i32>} : memref<128xi32, #tpu.memory_space<vmem>>, vector<16xi32>,
      %swap3A_100 = vector.shape_cast %swap3A_99 : vector<16xi32> to vector<16xi32>
      %swap3A_101 = vector.shape_cast %add3A_97 : vector<16xi32> to vector<16xi32>
      tpu.vector_store %arg7[%swap3A_98], %swap3A_101 {strides = array<i32>} : memref<128xi32, #tpu.memory_space<vmem>>, vector<16xi32>,
      %get3A_102 = arith.constant 0 : i32
      %get3A_103 = arith.index_cast %get3A_102 : i32 to index
      %get3A_104 = arith.constant 112 : index
      %get3A_105 = tpu.vector_load %arg6[%get3A_103, %get3A_104] {strides = array<i32>} : memref<2x128xi32, #tpu.memory_space<vmem>>, vector<1x16xi32>,
      %get3A_106 = vector.shape_cast %get3A_105 : vector<1x16xi32> to vector<16xi32>
      %add3A_107 = vector.broadcast %mul3A_0 : i32 to vector<16xi32>
      %add3A_108 = arith.addi %get3A_106, %add3A_107 : vector<16xi32>
      %swap3A_109 = arith.constant 112 : index
      %swap3A_110 = tpu.vector_load %arg7[%swap3A_109] {strides = array<i32>} : memref<128xi32, #tpu.memory_space<vmem>>, vector<16xi32>,
      %swap3A_111 = vector.shape_cast %swap3A_110 : vector<16xi32> to vector<16xi32>
      %swap3A_112 = vector.shape_cast %add3A_108 : vector<16xi32> to vector<16xi32>
      tpu.vector_store %arg7[%swap3A_109], %swap3A_112 {strides = array<i32>} : memref<128xi32, #tpu.memory_space<vmem>>, vector<16xi32>,
      %dma_start3A = arith.constant 0 : i32
      %dma_start3A_113 = arith.constant 0 : i32
      %dma_start3A_114 = tpu.memref_slice %arg3[%dma_start3A, %dma_start3A_113] : memref<20000x128xf32, #tpu.memory_space<hbm>> -> memref<20000x128xf32, #tpu.memory_space<hbm>>
      tpu.enqueue_indirect_dma source(%dma_start3A_114 : memref<20000x128xf32, #tpu.memory_space<hbm>>) target(%arg8 : memref<128x128xf32, #tpu.memory_space<vmem>>) offsets(%arg7 : memref<128xi32, #tpu.memory_space<vmem>>) semaphore(%arg10 : memref<!tpu.dma_semaphore, #tpu.memory_space<semaphore_mem>>)
      %dma_wait3A = arith.constant 0 : i32
      %dma_wait3A_115 = arith.constant 0 : i32
      %dma_wait3A_116 = tpu.memref_slice %arg3[%dma_wait3A, %dma_wait3A_115] : memref<20000x128xf32, #tpu.memory_space<hbm>> -> memref<20000x128xf32, #tpu.memory_space<hbm>>
      tpu.wait_indirect_dma semaphore(%arg10 : memref<!tpu.dma_semaphore, #tpu.memory_space<semaphore_mem>>) src(%dma_wait3A_116 : memref<20000x128xf32, #tpu.memory_space<hbm>>) dst(%arg8 : memref<128x128xf32, #tpu.memory_space<vmem>>)
      %run_scoped3A = arith.constant 1 : i32
      "tpu.region"() ({
        %run_scoped3A_117 = tpu.sem_alloc : memref<!tpu.dma_semaphore, #tpu.memory_space<semaphore_mem>>
        %dma_start3A_118 = arith.constant 0 : i32
        %dma_start3A_119 = tpu.memref_slice %arg6[%run_scoped3A, %dma_start3A_118] : memref<2x128xi32, #tpu.memory_space<vmem>> -> memref<1x128xi32, #tpu.memory_space<vmem>>
        %dma_start3A_120 = tpu.memref_squeeze %dma_start3A_119 : memref<1x128xi32, #tpu.memory_space<vmem>> -> memref<128xi32, #tpu.memory_space<vmem>>
        %dma_start3A_121 = arith.constant 0 : i32
        %dma_start3A_122 = arith.constant 0 : i32
        %dma_start3A_123 = tpu.memref_slice %arg9[%dma_start3A_121, %dma_start3A_122] : memref<10112x128xf32, #tpu.memory_space<vmem_shared>> -> memref<10112x128xf32, #tpu.memory_space<vmem_shared>>
        tpu.enqueue_indirect_dma source(%arg8 : memref<128x128xf32, #tpu.memory_space<vmem>>) target(%dma_start3A_123 : memref<10112x128xf32, #tpu.memory_space<vmem_shared>>) offsets(%dma_start3A_120 : memref<128xi32, #tpu.memory_space<vmem>>) semaphore(%run_scoped3A_117 : memref<!tpu.dma_semaphore, #tpu.memory_space<semaphore_mem>>) {add = true}
        %dma_wait3A_124 = arith.constant 0 : i32
        %dma_wait3A_125 = tpu.memref_slice %arg6[%run_scoped3A, %dma_wait3A_124] : memref<2x128xi32, #tpu.memory_space<vmem>> -> memref<1x128xi32, #tpu.memory_space<vmem>>
        %dma_wait3A_126 = tpu.memref_squeeze %dma_wait3A_125 : memref<1x128xi32, #tpu.memory_space<vmem>> -> memref<128xi32, #tpu.memory_space<vmem>>
        %dma_wait3A_127 = arith.constant 0 : i32
        %dma_wait3A_128 = arith.constant 0 : i32
        %dma_wait3A_129 = tpu.memref_slice %arg9[%dma_wait3A_127, %dma_wait3A_128] : memref<10112x128xf32, #tpu.memory_space<vmem_shared>> -> memref<10112x128xf32, #tpu.memory_space<vmem_shared>>
        tpu.wait_indirect_dma semaphore(%run_scoped3A_117 : memref<!tpu.dma_semaphore, #tpu.memory_space<semaphore_mem>>) src(%arg8 : memref<128x128xf32, #tpu.memory_space<vmem>>) dst(%dma_wait3A_129 : memref<10112x128xf32, #tpu.memory_space<vmem_shared>>)
        tpu.yield
      }) : () -> ()
    }
    %while3A_16 = arith.constant 1 : i32
    scf.for %while3A_22 = %while3A_14 to %while3A_10 step %while3A_16  : i32 {
      %mul3A_23 = arith.muli %while3A_22, %while3A : i32
      %add3A_24 = arith.addi %arg1, %mul3A_23 : i32
      %mul3A_25 = arith.constant 128 : i32
      %mul3A_26 = arith.muli %add3A_24, %mul3A_25 : i32
      "tpu.region"() ({
        %run_scoped3A_117 = tpu.sem_alloc : memref<!tpu.dma_semaphore, #tpu.memory_space<semaphore_mem>>
        %dma_start3A_118 = arith.constant 0 : i32
        %dma_start3A_119 = tpu.memref_slice %arg2[%dma_start3A_118, %mul3A_26] : memref<2x160000xi32, #tpu.memory_space<hbm>> -> memref<2x128xi32, #tpu.memory_space<hbm>>
        %dma_start3A_120 = arith.constant 0 : i32
        %dma_start3A_121 = tpu.memref_slice %arg2[%dma_start3A_120, %mul3A_26] : memref<2x160000xi32, #tpu.memory_space<hbm>> -> memref<2x128xi32, #tpu.memory_space<hbm>>
        tpu.enqueue_dma source(%dma_start3A_121 : memref<2x128xi32, #tpu.memory_space<hbm>>) target(%arg6 : memref<2x128xi32, #tpu.memory_space<vmem>>) target_semaphore(%run_scoped3A_117 : memref<!tpu.dma_semaphore, #tpu.memory_space<semaphore_mem>>)
        %dma_wait3A_122 = arith.constant 0 : i32
        %dma_wait3A_123 = tpu.memref_slice %arg2[%dma_wait3A_122, %mul3A_26] : memref<2x160000xi32, #tpu.memory_space<hbm>> -> memref<2x128xi32, #tpu.memory_space<hbm>>
        %dma_wait3A_124 = arith.constant 0 : i32
        %dma_wait3A_125 = tpu.memref_slice %arg2[%dma_wait3A_124, %mul3A_26] : memref<2x160000xi32, #tpu.memory_space<hbm>> -> memref<2x128xi32, #tpu.memory_space<hbm>>
        tpu.wait_dma2 semaphore(%run_scoped3A_117 : memref<!tpu.dma_semaphore, #tpu.memory_space<semaphore_mem>>) src(%dma_wait3A_125 : memref<2x128xi32, #tpu.memory_space<hbm>>) dst(%arg6 : memref<2x128xi32, #tpu.memory_space<vmem>>)
        tpu.yield
      }) : () -> ()
      %get3A = arith.constant 0 : i32
      %get3A_27 = arith.index_cast %get3A : i32 to index
      %get3A_28 = arith.constant 0 : index
      %get3A_29 = tpu.vector_load %arg6[%get3A_27, %get3A_28] {strides = array<i32>} : memref<2x128xi32, #tpu.memory_space<vmem>>, vector<1x16xi32>,
      %get3A_30 = vector.shape_cast %get3A_29 : vector<1x16xi32> to vector<16xi32>
      %add3A_31 = vector.broadcast %mul3A_0 : i32 to vector<16xi32>
      %add3A_32 = arith.addi %get3A_30, %add3A_31 : vector<16xi32>
      %swap3A = arith.constant 0 : index
      %swap3A_33 = tpu.vector_load %arg7[%swap3A] {strides = array<i32>} : memref<128xi32, #tpu.memory_space<vmem>>, vector<16xi32>,
      %swap3A_34 = vector.shape_cast %swap3A_33 : vector<16xi32> to vector<16xi32>
      %swap3A_35 = vector.shape_cast %add3A_32 : vector<16xi32> to vector<16xi32>
      tpu.vector_store %arg7[%swap3A], %swap3A_35 {strides = array<i32>} : memref<128xi32, #tpu.memory_space<vmem>>, vector<16xi32>,
      %get3A_36 = arith.constant 0 : i32
      %get3A_37 = arith.index_cast %get3A_36 : i32 to index
      %get3A_38 = arith.constant 16 : index
      %get3A_39 = tpu.vector_load %arg6[%get3A_37, %get3A_38] {strides = array<i32>} : memref<2x128xi32, #tpu.memory_space<vmem>>, vector<1x16xi32>,
      %get3A_40 = vector.shape_cast %get3A_39 : vector<1x16xi32> to vector<16xi32>
      %add3A_41 = vector.broadcast %mul3A_0 : i32 to vector<16xi32>
      %add3A_42 = arith.addi %get3A_40, %add3A_41 : vector<16xi32>
      %swap3A_43 = arith.constant 16 : index
      %swap3A_44 = tpu.vector_load %arg7[%swap3A_43] {strides = array<i32>} : memref<128xi32, #tpu.memory_space<vmem>>, vector<16xi32>,
      %swap3A_45 = vector.shape_cast %swap3A_44 : vector<16xi32> to vector<16xi32>
      %swap3A_46 = vector.shape_cast %add3A_42 : vector<16xi32> to vector<16xi32>
      tpu.vector_store %arg7[%swap3A_43], %swap3A_46 {strides = array<i32>} : memref<128xi32, #tpu.memory_space<vmem>>, vector<16xi32>,
      %get3A_47 = arith.constant 0 : i32
      %get3A_48 = arith.index_cast %get3A_47 : i32 to index
      %get3A_49 = arith.constant 32 : index
      %get3A_50 = tpu.vector_load %arg6[%get3A_48, %get3A_49] {strides = array<i32>} : memref<2x128xi32, #tpu.memory_space<vmem>>, vector<1x16xi32>,
      %get3A_51 = vector.shape_cast %get3A_50 : vector<1x16xi32> to vector<16xi32>
      %add3A_52 = vector.broadcast %mul3A_0 : i32 to vector<16xi32>
      %add3A_53 = arith.addi %get3A_51, %add3A_52 : vector<16xi32>
      %swap3A_54 = arith.constant 32 : index
      %swap3A_55 = tpu.vector_load %arg7[%swap3A_54] {strides = array<i32>} : memref<128xi32, #tpu.memory_space<vmem>>, vector<16xi32>,
      %swap3A_56 = vector.shape_cast %swap3A_55 : vector<16xi32> to vector<16xi32>
      %swap3A_57 = vector.shape_cast %add3A_53 : vector<16xi32> to vector<16xi32>
      tpu.vector_store %arg7[%swap3A_54], %swap3A_57 {strides = array<i32>} : memref<128xi32, #tpu.memory_space<vmem>>, vector<16xi32>,
      %get3A_58 = arith.constant 0 : i32
      %get3A_59 = arith.index_cast %get3A_58 : i32 to index
      %get3A_60 = arith.constant 48 : index
      %get3A_61 = tpu.vector_load %arg6[%get3A_59, %get3A_60] {strides = array<i32>} : memref<2x128xi32, #tpu.memory_space<vmem>>, vector<1x16xi32>,
      %get3A_62 = vector.shape_cast %get3A_61 : vector<1x16xi32> to vector<16xi32>
      %add3A_63 = vector.broadcast %mul3A_0 : i32 to vector<16xi32>
      %add3A_64 = arith.addi %get3A_62, %add3A_63 : vector<16xi32>
      %swap3A_65 = arith.constant 48 : index
      %swap3A_66 = tpu.vector_load %arg7[%swap3A_65] {strides = array<i32>} : memref<128xi32, #tpu.memory_space<vmem>>, vector<16xi32>,
      %swap3A_67 = vector.shape_cast %swap3A_66 : vector<16xi32> to vector<16xi32>
      %swap3A_68 = vector.shape_cast %add3A_64 : vector<16xi32> to vector<16xi32>
      tpu.vector_store %arg7[%swap3A_65], %swap3A_68 {strides = array<i32>} : memref<128xi32, #tpu.memory_space<vmem>>, vector<16xi32>,
      %get3A_69 = arith.constant 0 : i32
      %get3A_70 = arith.index_cast %get3A_69 : i32 to index
      %get3A_71 = arith.constant 64 : index
      %get3A_72 = tpu.vector_load %arg6[%get3A_70, %get3A_71] {strides = array<i32>} : memref<2x128xi32, #tpu.memory_space<vmem>>, vector<1x16xi32>,
      %get3A_73 = vector.shape_cast %get3A_72 : vector<1x16xi32> to vector<16xi32>
      %add3A_74 = vector.broadcast %mul3A_0 : i32 to vector<16xi32>
      %add3A_75 = arith.addi %get3A_73, %add3A_74 : vector<16xi32>
      %swap3A_76 = arith.constant 64 : index
      %swap3A_77 = tpu.vector_load %arg7[%swap3A_76] {strides = array<i32>} : memref<128xi32, #tpu.memory_space<vmem>>, vector<16xi32>,
      %swap3A_78 = vector.shape_cast %swap3A_77 : vector<16xi32> to vector<16xi32>
      %swap3A_79 = vector.shape_cast %add3A_75 : vector<16xi32> to vector<16xi32>
      tpu.vector_store %arg7[%swap3A_76], %swap3A_79 {strides = array<i32>} : memref<128xi32, #tpu.memory_space<vmem>>, vector<16xi32>,
      %get3A_80 = arith.constant 0 : i32
      %get3A_81 = arith.index_cast %get3A_80 : i32 to index
      %get3A_82 = arith.constant 80 : index
      %get3A_83 = tpu.vector_load %arg6[%get3A_81, %get3A_82] {strides = array<i32>} : memref<2x128xi32, #tpu.memory_space<vmem>>, vector<1x16xi32>,
      %get3A_84 = vector.shape_cast %get3A_83 : vector<1x16xi32> to vector<16xi32>
      %add3A_85 = vector.broadcast %mul3A_0 : i32 to vector<16xi32>
      %add3A_86 = arith.addi %get3A_84, %add3A_85 : vector<16xi32>
      %swap3A_87 = arith.constant 80 : index
      %swap3A_88 = tpu.vector_load %arg7[%swap3A_87] {strides = array<i32>} : memref<128xi32, #tpu.memory_space<vmem>>, vector<16xi32>,
      %swap3A_89 = vector.shape_cast %swap3A_88 : vector<16xi32> to vector<16xi32>
      %swap3A_90 = vector.shape_cast %add3A_86 : vector<16xi32> to vector<16xi32>
      tpu.vector_store %arg7[%swap3A_87], %swap3A_90 {strides = array<i32>} : memref<128xi32, #tpu.memory_space<vmem>>, vector<16xi32>,
      %get3A_91 = arith.constant 0 : i32
      %get3A_92 = arith.index_cast %get3A_91 : i32 to index
      %get3A_93 = arith.constant 96 : index
      %get3A_94 = tpu.vector_load %arg6[%get3A_92, %get3A_93] {strides = array<i32>} : memref<2x128xi32, #tpu.memory_space<vmem>>, vector<1x16xi32>,
      %get3A_95 = vector.shape_cast %get3A_94 : vector<1x16xi32> to vector<16xi32>
      %add3A_96 = vector.broadcast %mul3A_0 : i32 to vector<16xi32>
      %add3A_97 = arith.addi %get3A_95, %add3A_96 : vector<16xi32>
      %swap3A_98 = arith.constant 96 : index
      %swap3A_99 = tpu.vector_load %arg7[%swap3A_98] {strides = array<i32>} : memref<128xi32, #tpu.memory_space<vmem>>, vector<16xi32>,
      %swap3A_100 = vector.shape_cast %swap3A_99 : vector<16xi32> to vector<16xi32>
      %swap3A_101 = vector.shape_cast %add3A_97 : vector<16xi32> to vector<16xi32>
      tpu.vector_store %arg7[%swap3A_98], %swap3A_101 {strides = array<i32>} : memref<128xi32, #tpu.memory_space<vmem>>, vector<16xi32>,
      %get3A_102 = arith.constant 0 : i32
      %get3A_103 = arith.index_cast %get3A_102 : i32 to index
      %get3A_104 = arith.constant 112 : index
      %get3A_105 = tpu.vector_load %arg6[%get3A_103, %get3A_104] {strides = array<i32>} : memref<2x128xi32, #tpu.memory_space<vmem>>, vector<1x16xi32>,
      %get3A_106 = vector.shape_cast %get3A_105 : vector<1x16xi32> to vector<16xi32>
      %add3A_107 = vector.broadcast %mul3A_0 : i32 to vector<16xi32>
      %add3A_108 = arith.addi %get3A_106, %add3A_107 : vector<16xi32>
      %swap3A_109 = arith.constant 112 : index
      %swap3A_110 = tpu.vector_load %arg7[%swap3A_109] {strides = array<i32>} : memref<128xi32, #tpu.memory_space<vmem>>, vector<16xi32>,
      %swap3A_111 = vector.shape_cast %swap3A_110 : vector<16xi32> to vector<16xi32>
      %swap3A_112 = vector.shape_cast %add3A_108 : vector<16xi32> to vector<16xi32>
      tpu.vector_store %arg7[%swap3A_109], %swap3A_112 {strides = array<i32>} : memref<128xi32, #tpu.memory_space<vmem>>, vector<16xi32>,
      %dma_start3A = arith.constant 0 : i32
      %dma_start3A_113 = arith.constant 0 : i32
      %dma_start3A_114 = tpu.memref_slice %arg3[%dma_start3A, %dma_start3A_113] : memref<20000x128xf32, #tpu.memory_space<hbm>> -> memref<20000x128xf32, #tpu.memory_space<hbm>>
      tpu.enqueue_indirect_dma source(%dma_start3A_114 : memref<20000x128xf32, #tpu.memory_space<hbm>>) target(%arg8 : memref<128x128xf32, #tpu.memory_space<vmem>>) offsets(%arg7 : memref<128xi32, #tpu.memory_space<vmem>>) semaphore(%arg10 : memref<!tpu.dma_semaphore, #tpu.memory_space<semaphore_mem>>)
      %dma_wait3A = arith.constant 0 : i32
      %dma_wait3A_115 = arith.constant 0 : i32
      %dma_wait3A_116 = tpu.memref_slice %arg3[%dma_wait3A, %dma_wait3A_115] : memref<20000x128xf32, #tpu.memory_space<hbm>> -> memref<20000x128xf32, #tpu.memory_space<hbm>>
      tpu.wait_indirect_dma semaphore(%arg10 : memref<!tpu.dma_semaphore, #tpu.memory_space<semaphore_mem>>) src(%dma_wait3A_116 : memref<20000x128xf32, #tpu.memory_space<hbm>>) dst(%arg8 : memref<128x128xf32, #tpu.memory_space<vmem>>)
      %run_scoped3A = arith.constant 1 : i32
      "tpu.region"() ({
        %run_scoped3A_117 = tpu.sem_alloc : memref<!tpu.dma_semaphore, #tpu.memory_space<semaphore_mem>>
        %dma_start3A_118 = arith.constant 0 : i32
        %dma_start3A_119 = tpu.memref_slice %arg6[%run_scoped3A, %dma_start3A_118] : memref<2x128xi32, #tpu.memory_space<vmem>> -> memref<1x128xi32, #tpu.memory_space<vmem>>
        %dma_start3A_120 = tpu.memref_squeeze %dma_start3A_119 : memref<1x128xi32, #tpu.memory_space<vmem>> -> memref<128xi32, #tpu.memory_space<vmem>>
        %dma_start3A_121 = arith.constant 0 : i32
        %dma_start3A_122 = arith.constant 0 : i32
        %dma_start3A_123 = tpu.memref_slice %arg9[%dma_start3A_121, %dma_start3A_122] : memref<10112x128xf32, #tpu.memory_space<vmem_shared>> -> memref<10112x128xf32, #tpu.memory_space<vmem_shared>>
        tpu.enqueue_indirect_dma source(%arg8 : memref<128x128xf32, #tpu.memory_space<vmem>>) target(%dma_start3A_123 : memref<10112x128xf32, #tpu.memory_space<vmem_shared>>) offsets(%dma_start3A_120 : memref<128xi32, #tpu.memory_space<vmem>>) semaphore(%run_scoped3A_117 : memref<!tpu.dma_semaphore, #tpu.memory_space<semaphore_mem>>) {add = true}
        %dma_wait3A_124 = arith.constant 0 : i32
        %dma_wait3A_125 = tpu.memref_slice %arg6[%run_scoped3A, %dma_wait3A_124] : memref<2x128xi32, #tpu.memory_space<vmem>> -> memref<1x128xi32, #tpu.memory_space<vmem>>
        %dma_wait3A_126 = tpu.memref_squeeze %dma_wait3A_125 : memref<1x128xi32, #tpu.memory_space<vmem>> -> memref<128xi32, #tpu.memory_space<vmem>>
        %dma_wait3A_127 = arith.constant 0 : i32
        %dma_wait3A_128 = arith.constant 0 : i32
        %dma_wait3A_129 = tpu.memref_slice %arg9[%dma_wait3A_127, %dma_wait3A_128] : memref<10112x128xf32, #tpu.memory_space<vmem_shared>> -> memref<10112x128xf32, #tpu.memory_space<vmem_shared>>
        tpu.wait_indirect_dma semaphore(%run_scoped3A_117 : memref<!tpu.dma_semaphore, #tpu.memory_space<semaphore_mem>>) src(%arg8 : memref<128x128xf32, #tpu.memory_space<vmem>>) dst(%dma_wait3A_129 : memref<10112x128xf32, #tpu.memory_space<vmem_shared>>)
        tpu.yield
      }) : () -> ()
    }
    %barrier3A_17 = arith.constant 0 : index
    tpu.barrier barrier_id(%barrier3A_17)
    %mul3A_18 = arith.constant 632 : i32
    %mul3A_19 = arith.muli %arg1, %mul3A_18 : i32
    %mul3A_20 = arith.constant 632 : i32
    %mul3A_21 = arith.muli %arg1, %mul3A_20 : i32
    "tpu.region"() ({
      %run_scoped3A = tpu.sem_alloc : memref<!tpu.dma_semaphore, #tpu.memory_space<semaphore_mem>>
      %dma_start3A = arith.constant 0 : i32
      %dma_start3A_22 = tpu.memref_slice %arg5[%arg0, %mul3A_21, %dma_start3A] : memref<2x10112x128xf32, #tpu.memory_space<hbm>> -> memref<1x632x128xf32, #tpu.memory_space<hbm>>
      %dma_start3A_23 = tpu.memref_squeeze %dma_start3A_22 : memref<1x632x128xf32, #tpu.memory_space<hbm>> -> memref<632x128xf32, #tpu.memory_space<hbm>>
      %dma_start3A_24 = arith.constant 0 : i32
      %dma_start3A_25 = tpu.memref_slice %arg9[%mul3A_19, %dma_start3A_24] : memref<10112x128xf32, #tpu.memory_space<vmem_shared>> -> memref<632x128xf32, #tpu.memory_space<vmem_shared>>
      tpu.enqueue_dma source(%dma_start3A_25 : memref<632x128xf32, #tpu.memory_space<vmem_shared>>) target(%dma_start3A_23 : memref<632x128xf32, #tpu.memory_space<hbm>>) target_semaphore(%run_scoped3A : memref<!tpu.dma_semaphore, #tpu.memory_space<semaphore_mem>>)
      %dma_wait3A = arith.constant 0 : i32
      %dma_wait3A_26 = tpu.memref_slice %arg5[%arg0, %mul3A_21, %dma_wait3A] : memref<2x10112x128xf32, #tpu.memory_space<hbm>> -> memref<1x632x128xf32, #tpu.memory_space<hbm>>
      %dma_wait3A_27 = tpu.memref_squeeze %dma_wait3A_26 : memref<1x632x128xf32, #tpu.memory_space<hbm>> -> memref<632x128xf32, #tpu.memory_space<hbm>>
      %dma_wait3A_28 = arith.constant 0 : i32
      %dma_wait3A_29 = tpu.memref_slice %arg9[%mul3A_19, %dma_wait3A_28] : memref<10112x128xf32, #tpu.memory_space<vmem_shared>> -> memref<632x128xf32, #tpu.memory_space<vmem_shared>>
      tpu.wait_dma2 semaphore(%run_scoped3A : memref<!tpu.dma_semaphore, #tpu.memory_space<semaphore_mem>>) src(%dma_wait3A_29 : memref<632x128xf32, #tpu.memory_space<vmem_shared>>) dst(%dma_wait3A_27 : memref<632x128xf32, #tpu.memory_space<hbm>>)
      tpu.yield
    }) : () -> ()
    return
  }
}

module attributes {stable_mosaic.version = 14 : i64} {
  func.func @_mm1_body(%arg0: i32, %arg1: i32, %arg2: memref<1000x256xf32, #tpu.memory_space<vmem>>, %arg3: memref<256x128xf32, #tpu.memory_space<vmem>>, %arg4: memref<256x128xf32, #tpu.memory_space<vmem>>, %arg5: memref<1x128xf32, #tpu.memory_space<vmem>>, %arg6: memref<2x1000x128xf32, #tpu.memory_space<vmem>>, %arg7: memref<1x1000x128xf32, #tpu.memory_space<vmem>>, %arg8: memref<1000x128xf32, #tpu.memory_space<vmem>>) attributes {dimension_semantics = [#tpu.dimension_semantics<arbitrary>, #tpu.dimension_semantics<arbitrary>], iteration_bounds = array<i64: 10, 2>, scalar_prefetch = 0 : i64, scratch_operands = 0 : i64, tpu.core_type = #tpu.core_type<tc>, window_params = [{transform_indices = @transform_0, window_bounds = array<i64: 1000, 256>}, {transform_indices = @transform_1, window_bounds = array<i64: 256, 128>}, {pipeline_mode = #tpu.pipeline_mode<synchronous>, transform_indices = @transform_2, window_bounds = array<i64: 256, 128>}, {pipeline_mode = #tpu.pipeline_mode<synchronous>, transform_indices = @transform_3, window_bounds = array<i64: 1, 128>}, {transform_indices = @transform_4, window_bounds = array<i64: 2, 1000, 128>}, {transform_indices = @transform_5, window_bounds = array<i64: 1, 1000, 128>}, {transform_indices = @transform_6, window_bounds = array<i64: 1000, 128>}]} {
    %get3A = arith.constant 0 : index
    %get3A_0 = arith.constant 0 : index
    %get3A_1 = arith.constant 0 : index
    %get3A_2 = vector.load %arg6[%get3A, %get3A_0, %get3A_1] : memref<2x1000x128xf32, #tpu.memory_space<vmem>>, vector<2x1000x128xf32>
    %slice3A = vector.extract_strided_slice %get3A_2 {offsets = [0, 0, 0], sizes = [1, 1000, 1], strides = [1, 1, 1]} : vector<2x1000x128xf32> to vector<1x1000x1xf32>
    %squeeze3A = vector.shape_cast %slice3A : vector<1x1000x1xf32> to vector<1000xf32>
    %slice3A_3 = vector.extract_strided_slice %get3A_2 {offsets = [1, 0, 0], sizes = [1, 1000, 1], strides = [1, 1, 1]} : vector<2x1000x128xf32> to vector<1x1000x1xf32>
    %squeeze3A_4 = vector.shape_cast %slice3A_3 : vector<1x1000x1xf32> to vector<1000xf32>
    %add3A = arith.addf %squeeze3A, %squeeze3A_4 : vector<1000xf32>
    %add3A_5 = arith.constant 1.000000e+00 : f32
    %add3A_6 = vector.broadcast %add3A_5 : f32 to vector<1000xf32>
    %add3A_7 = arith.addf %add3A, %add3A_6 : vector<1000xf32>
    %rsqrt3A = math.rsqrt %add3A_7 : vector<1000xf32>
    %get3A_8 = arith.constant 0 : index
    %get3A_9 = arith.constant 0 : index
    %get3A_10 = vector.load %arg2[%get3A_8, %get3A_9] : memref<1000x256xf32, #tpu.memory_space<vmem>>, vector<1000x256xf32>
    %get3A_11 = arith.constant 0 : index
    %get3A_12 = arith.constant 0 : index
    %get3A_13 = vector.load %arg3[%get3A_11, %get3A_12] : memref<256x128xf32, #tpu.memory_space<vmem>>, vector<256x128xf32>
    %dot_general3A = arith.constant dense<0.000000e+00> : vector<1000x128xf32>
    %dot_general3A_14 = tpu.matmul %get3A_10, %get3A_13, %dot_general3A {dimension_numbers = #tpu.dot_dimension_numbers<[1], [0], [0], [1], [0, 0, 1, 1], [], []>, precision = #tpu.contract_precision<fp32>, transpose_lhs_hint = false} : vector<1000x256xf32>, vector<256x128xf32>, vector<1000x128xf32> -> vector<1000x128xf32>
    %broadcast_in_dim3A = vector.shape_cast %rsqrt3A : vector<1000xf32> to vector<1000x1xf32>
    %mul3A = vector.broadcast %broadcast_in_dim3A : vector<1000x1xf32> to vector<1000x128xf32>
    %mul3A_15 = arith.mulf %mul3A, %dot_general3A_14 : vector<1000x128xf32>
    %swap3A = arith.constant 0 : index
    %swap3A_16 = arith.constant 0 : index
    %swap3A_17 = arith.constant 0 : index
    %swap3A_18 = vector.load %arg7[%swap3A, %swap3A_16, %swap3A_17] : memref<1x1000x128xf32, #tpu.memory_space<vmem>>, vector<1x1000x128xf32>
    %swap3A_19 = vector.shape_cast %swap3A_18 : vector<1x1000x128xf32> to vector<1000x128xf32>
    %swap3A_20 = vector.shape_cast %mul3A_15 : vector<1000x128xf32> to vector<1x1000x128xf32>
    tpu.vector_store %arg7[%swap3A, %swap3A_16, %swap3A_17], %swap3A_20 {strides = array<i32>} : memref<1x1000x128xf32, #tpu.memory_space<vmem>>, vector<1x1000x128xf32>,
    %get3A_21 = arith.constant 0 : index
    %get3A_22 = arith.constant 0 : index
    %get3A_23 = vector.load %arg2[%get3A_21, %get3A_22] : memref<1000x256xf32, #tpu.memory_space<vmem>>, vector<1000x256xf32>
    %get3A_24 = arith.constant 0 : index
    %get3A_25 = arith.constant 0 : index
    %get3A_26 = vector.load %arg4[%get3A_24, %get3A_25] : memref<256x128xf32, #tpu.memory_space<vmem>>, vector<256x128xf32>
    %dot_general3A_27 = arith.constant dense<0.000000e+00> : vector<1000x128xf32>
    %dot_general3A_28 = tpu.matmul %get3A_23, %get3A_26, %dot_general3A_27 {dimension_numbers = #tpu.dot_dimension_numbers<[1], [0], [0], [1], [0, 0, 1, 1], [], []>, precision = #tpu.contract_precision<fp32>, transpose_lhs_hint = false} : vector<1000x256xf32>, vector<256x128xf32>, vector<1000x128xf32> -> vector<1000x128xf32>
    %get3A_29 = arith.constant 0 : index
    %get3A_30 = arith.constant 0 : index
    %get3A_31 = vector.load %arg5[%get3A_29, %get3A_30] : memref<1x128xf32, #tpu.memory_space<vmem>>, vector<1x128xf32>
    %get3A_32 = vector.shape_cast %get3A_31 : vector<1x128xf32> to vector<128xf32>
    %broadcast_in_dim3A_33 = vector.shape_cast %get3A_32 : vector<128xf32> to vector<1x128xf32>
    %add3A_34 = vector.broadcast %broadcast_in_dim3A_33 : vector<1x128xf32> to vector<1000x128xf32>
    %add3A_35 = arith.addf %dot_general3A_28, %add3A_34 : vector<1000x128xf32>
    %swap3A_36 = arith.constant 0 : index
    %swap3A_37 = arith.constant 0 : index
    %swap3A_38 = vector.load %arg8[%swap3A_36, %swap3A_37] : memref<1000x128xf32, #tpu.memory_space<vmem>>, vector<1000x128xf32>
    tpu.vector_store %arg8[%swap3A_36, %swap3A_37], %add3A_35 {strides = array<i32>} : memref<1000x128xf32, #tpu.memory_space<vmem>>, vector<1000x128xf32>,
    return
  }
  func.func @transform_0(%arg0: i32, %arg1: i32) -> (i32, i32) {
    %c0_i32 = arith.constant 0 : i32
    %c0_i32_0 = arith.constant 0 : i32
    return %arg0, %c0_i32 : i32, i32
  }
  func.func @transform_1(%arg0: i32, %arg1: i32) -> (i32, i32) {
    %c0_i32 = arith.constant 0 : i32
    %c0_i32_0 = arith.constant 0 : i32
    return %c0_i32, %arg1 : i32, i32
  }
  func.func @transform_2(%arg0: i32, %arg1: i32) -> (i32, i32) {
    %c0_i32 = arith.constant 0 : i32
    %c0_i32_0 = arith.constant 0 : i32
    %c0_i32_1 = arith.constant 0 : i32
    return %c0_i32, %c0_i32_0 : i32, i32
  }
  func.func @transform_3(%arg0: i32, %arg1: i32) -> (i32, i32) {
    %c0_i32 = arith.constant 0 : i32
    %c0_i32_0 = arith.constant 0 : i32
    %c0_i32_1 = arith.constant 0 : i32
    return %c0_i32, %c0_i32_0 : i32, i32
  }
  func.func @transform_4(%arg0: i32, %arg1: i32) -> (i32, i32, i32) {
    %c0_i32 = arith.constant 0 : i32
    %c0_i32_0 = arith.constant 0 : i32
    %c0_i32_1 = arith.constant 0 : i32
    return %c0_i32, %arg0, %c0_i32_0 : i32, i32, i32
  }
  func.func @transform_5(%arg0: i32, %arg1: i32) -> (i32, i32, i32) {
    %c0_i32 = arith.constant 0 : i32
    %c0_i32_0 = arith.constant 0 : i32
    return %arg1, %arg0, %c0_i32 : i32, i32, i32
  }
  func.func @transform_6(%arg0: i32, %arg1: i32) -> (i32, i32) {
    %c0_i32 = arith.constant 0 : i32
    %c0_i32_0 = arith.constant 0 : i32
    return %arg0, %c0_i32 : i32, i32
  }
}

module attributes {stable_mosaic.version = 14 : i64} {
  func.func @_mm2_body(%arg0: i32, %arg1: i32, %arg2: memref<2x1000x128xf32, #tpu.memory_space<vmem>>, %arg3: memref<2x1000x128xf32, #tpu.memory_space<vmem>>, %arg4: memref<2x1000x128xf32, #tpu.memory_space<vmem>>, %arg5: memref<1x256xf32, #tpu.memory_space<vmem>>, %arg6: memref<1000x128xf32, #tpu.memory_space<vmem>>, %arg7: memref<256x128xf32, #tpu.memory_space<vmem>>, %arg8: memref<128x128xf32, #tpu.memory_space<vmem>>, %arg9: memref<1x1000x128xf32, #tpu.memory_space<vmem>>) attributes {dimension_semantics = [#tpu.dimension_semantics<arbitrary>, #tpu.dimension_semantics<arbitrary>], iteration_bounds = array<i64: 10, 2>, scalar_prefetch = 0 : i64, scratch_operands = 0 : i64, tpu.core_type = #tpu.core_type<tc>, window_params = [{transform_indices = @transform_0, window_bounds = array<i64: 2, 1000, 128>}, {transform_indices = @transform_1, window_bounds = array<i64: 2, 1000, 128>}, {transform_indices = @transform_2, window_bounds = array<i64: 2, 1000, 128>}, {pipeline_mode = #tpu.pipeline_mode<synchronous>, transform_indices = @transform_3, window_bounds = array<i64: 1, 256>}, {transform_indices = @transform_4, window_bounds = array<i64: 1000, 128>}, {transform_indices = @transform_5, window_bounds = array<i64: 256, 128>}, {transform_indices = @transform_6, window_bounds = array<i64: 128, 128>}, {transform_indices = @transform_7, window_bounds = array<i64: 1, 1000, 128>}]} {
    %get3A = arith.constant 0 : index
    %get3A_0 = arith.constant 0 : index
    %get3A_1 = arith.constant 0 : index
    %get3A_2 = vector.load %arg4[%get3A, %get3A_0, %get3A_1] : memref<2x1000x128xf32, #tpu.memory_space<vmem>>, vector<2x1000x128xf32>
    %slice3A = vector.extract_strided_slice %get3A_2 {offsets = [0, 0, 0], sizes = [1, 1000, 1], strides = [1, 1, 1]} : vector<2x1000x128xf32> to vector<1x1000x1xf32>
    %squeeze3A = vector.shape_cast %slice3A : vector<1x1000x1xf32> to vector<1000xf32>
    %slice3A_3 = vector.extract_strided_slice %get3A_2 {offsets = [1, 0, 0], sizes = [1, 1000, 1], strides = [1, 1, 1]} : vector<2x1000x128xf32> to vector<1x1000x1xf32>
    %squeeze3A_4 = vector.shape_cast %slice3A_3 : vector<1x1000x1xf32> to vector<1000xf32>
    %add3A = arith.addf %squeeze3A, %squeeze3A_4 : vector<1000xf32>
    %add3A_5 = arith.constant 1.000000e+00 : f32
    %add3A_6 = vector.broadcast %add3A_5 : f32 to vector<1000xf32>
    %add3A_7 = arith.addf %add3A, %add3A_6 : vector<1000xf32>
    %rsqrt3A = math.rsqrt %add3A_7 : vector<1000xf32>
    %broadcast_in_dim3A = vector.shape_cast %rsqrt3A : vector<1000xf32> to vector<1x1000x1xf32>
    %get3A_8 = arith.constant 0 : index
    %get3A_9 = arith.constant 0 : index
    %get3A_10 = arith.constant 0 : index
    %get3A_11 = vector.load %arg2[%get3A_8, %get3A_9, %get3A_10] : memref<2x1000x128xf32, #tpu.memory_space<vmem>>, vector<2x1000x128xf32>
    %get3A_12 = arith.constant 0 : index
    %get3A_13 = arith.constant 0 : index
    %get3A_14 = arith.constant 0 : index
    %get3A_15 = vector.load %arg3[%get3A_12, %get3A_13, %get3A_14] : memref<2x1000x128xf32, #tpu.memory_space<vmem>>, vector<2x1000x128xf32>
    %add3A_16 = arith.addf %get3A_11, %get3A_15 : vector<2x1000x128xf32>
    %mul3A = vector.broadcast %broadcast_in_dim3A : vector<1x1000x1xf32> to vector<2x1000x128xf32>
    %mul3A_17 = arith.mulf %mul3A, %add3A_16 : vector<2x1000x128xf32>
    %slice3A_18 = vector.extract_strided_slice %mul3A_17 {offsets = [0, 0, 0], sizes = [1, 1000, 128], strides = [1, 1, 1]} : vector<2x1000x128xf32> to vector<1x1000x128xf32>
    %squeeze3A_19 = vector.shape_cast %slice3A_18 : vector<1x1000x128xf32> to vector<1000x128xf32>
    %slice3A_20 = vector.extract_strided_slice %mul3A_17 {offsets = [1, 0, 0], sizes = [1, 1000, 128], strides = [1, 1, 1]} : vector<2x1000x128xf32> to vector<1x1000x128xf32>
    %squeeze3A_21 = vector.shape_cast %slice3A_20 : vector<1x1000x128xf32> to vector<1000x128xf32>
    %concatenate3A = tpu.concatenate %squeeze3A_19, %squeeze3A_21 in 1 : vector<1000x128xf32>, vector<1000x128xf32> -> vector<1000x256xf32>
    %get3A_22 = arith.constant 0 : index
    %get3A_23 = arith.constant 0 : index
    %get3A_24 = vector.load %arg5[%get3A_22, %get3A_23] : memref<1x256xf32, #tpu.memory_space<vmem>>, vector<1x256xf32>
    %get3A_25 = vector.shape_cast %get3A_24 : vector<1x256xf32> to vector<256xf32>
    %broadcast_in_dim3A_26 = vector.shape_cast %get3A_25 : vector<256xf32> to vector<1x256xf32>
    %add3A_27 = vector.broadcast %broadcast_in_dim3A_26 : vector<1x256xf32> to vector<1000x256xf32>
    %add3A_28 = arith.addf %concatenate3A, %add3A_27 : vector<1000x256xf32>
    %max3A = arith.constant 0.000000e+00 : f32
    %max3A_29 = vector.broadcast %max3A : f32 to vector<1000x256xf32>
    %max3A_30 = arith.maximumf %add3A_28, %max3A_29 : vector<1000x256xf32>
    %get3A_31 = arith.constant 0 : index
    %get3A_32 = arith.constant 0 : index
    %get3A_33 = vector.load %arg7[%get3A_31, %get3A_32] : memref<256x128xf32, #tpu.memory_space<vmem>>, vector<256x128xf32>
    %dot_general3A = arith.constant dense<0.000000e+00> : vector<1000x128xf32>
    %dot_general3A_34 = tpu.matmul %max3A_30, %get3A_33, %dot_general3A {dimension_numbers = #tpu.dot_dimension_numbers<[1], [0], [0], [1], [0, 0, 1, 1], [], []>, precision = #tpu.contract_precision<fp32>, transpose_lhs_hint = false} : vector<1000x256xf32>, vector<256x128xf32>, vector<1000x128xf32> -> vector<1000x128xf32>
    %get3A_35 = arith.constant 0 : index
    %get3A_36 = arith.constant 0 : index
    %get3A_37 = vector.load %arg6[%get3A_35, %get3A_36] : memref<1000x128xf32, #tpu.memory_space<vmem>>, vector<1000x128xf32>
    %get3A_38 = arith.constant 0 : index
    %get3A_39 = arith.constant 0 : index
    %get3A_40 = vector.load %arg8[%get3A_38, %get3A_39] : memref<128x128xf32, #tpu.memory_space<vmem>>, vector<128x128xf32>
    %dot_general3A_41 = arith.constant dense<0.000000e+00> : vector<1000x128xf32>
    %dot_general3A_42 = tpu.matmul %get3A_37, %get3A_40, %dot_general3A_41 {dimension_numbers = #tpu.dot_dimension_numbers<[1], [0], [0], [1], [0, 0, 1, 1], [], []>, precision = #tpu.contract_precision<fp32>, transpose_lhs_hint = false} : vector<1000x128xf32>, vector<128x128xf32>, vector<1000x128xf32> -> vector<1000x128xf32>
    %add3A_43 = arith.addf %dot_general3A_34, %dot_general3A_42 : vector<1000x128xf32>
    %broadcast_in_dim3A_44 = vector.shape_cast %rsqrt3A : vector<1000xf32> to vector<1000x1xf32>
    %mul3A_45 = vector.broadcast %broadcast_in_dim3A_44 : vector<1000x1xf32> to vector<1000x128xf32>
    %mul3A_46 = arith.mulf %mul3A_45, %add3A_43 : vector<1000x128xf32>
    %swap3A = arith.constant 0 : index
    %swap3A_47 = arith.constant 0 : index
    %swap3A_48 = arith.constant 0 : index
    %swap3A_49 = vector.load %arg9[%swap3A, %swap3A_47, %swap3A_48] : memref<1x1000x128xf32, #tpu.memory_space<vmem>>, vector<1x1000x128xf32>
    %swap3A_50 = vector.shape_cast %swap3A_49 : vector<1x1000x128xf32> to vector<1000x128xf32>
    %swap3A_51 = vector.shape_cast %mul3A_46 : vector<1000x128xf32> to vector<1x1000x128xf32>
    tpu.vector_store %arg9[%swap3A, %swap3A_47, %swap3A_48], %swap3A_51 {strides = array<i32>} : memref<1x1000x128xf32, #tpu.memory_space<vmem>>, vector<1x1000x128xf32>,
    return
  }
  func.func @transform_0(%arg0: i32, %arg1: i32) -> (i32, i32, i32) {
    %c0_i32 = arith.constant 0 : i32
    %c0_i32_0 = arith.constant 0 : i32
    %c0_i32_1 = arith.constant 0 : i32
    return %c0_i32, %arg0, %c0_i32_0 : i32, i32, i32
  }
  func.func @transform_1(%arg0: i32, %arg1: i32) -> (i32, i32, i32) {
    %c0_i32 = arith.constant 0 : i32
    %c0_i32_0 = arith.constant 0 : i32
    %c0_i32_1 = arith.constant 0 : i32
    return %c0_i32, %arg0, %c0_i32_0 : i32, i32, i32
  }
  func.func @transform_2(%arg0: i32, %arg1: i32) -> (i32, i32, i32) {
    %c0_i32 = arith.constant 0 : i32
    %c0_i32_0 = arith.constant 0 : i32
    %c0_i32_1 = arith.constant 0 : i32
    return %c0_i32, %arg0, %c0_i32_0 : i32, i32, i32
  }
  func.func @transform_3(%arg0: i32, %arg1: i32) -> (i32, i32) {
    %c0_i32 = arith.constant 0 : i32
    %c0_i32_0 = arith.constant 0 : i32
    %c0_i32_1 = arith.constant 0 : i32
    return %c0_i32, %c0_i32_0 : i32, i32
  }
  func.func @transform_4(%arg0: i32, %arg1: i32) -> (i32, i32) {
    %c0_i32 = arith.constant 0 : i32
    %c0_i32_0 = arith.constant 0 : i32
    return %arg0, %c0_i32 : i32, i32
  }
  func.func @transform_5(%arg0: i32, %arg1: i32) -> (i32, i32) {
    %c0_i32 = arith.constant 0 : i32
    %c0_i32_0 = arith.constant 0 : i32
    return %c0_i32, %arg1 : i32, i32
  }
  func.func @transform_6(%arg0: i32, %arg1: i32) -> (i32, i32) {
    %c0_i32 = arith.constant 0 : i32
    %c0_i32_0 = arith.constant 0 : i32
    return %c0_i32, %arg1 : i32, i32
  }
  func.func @transform_7(%arg0: i32, %arg1: i32) -> (i32, i32, i32) {
    %c0_i32 = arith.constant 0 : i32
    %c0_i32_0 = arith.constant 0 : i32
    return %arg1, %arg0, %c0_i32 : i32, i32, i32
  }
}

module attributes {stable_mosaic.version = 14 : i64} {
  func.func @_final_body(%arg0: i32, %arg1: memref<2x1000x128xf32, #tpu.memory_space<vmem>>, %arg2: memref<2x1000x128xf32, #tpu.memory_space<vmem>>, %arg3: memref<2x1000x128xf32, #tpu.memory_space<vmem>>, %arg4: memref<1x256xf32, #tpu.memory_space<vmem>>, %arg5: memref<1000x256xf32, #tpu.memory_space<vmem>>) attributes {dimension_semantics = [#tpu.dimension_semantics<arbitrary>], iteration_bounds = array<i64: 10>, scalar_prefetch = 0 : i64, scratch_operands = 0 : i64, tpu.core_type = #tpu.core_type<tc>, window_params = [{transform_indices = @transform_0, window_bounds = array<i64: 2, 1000, 128>}, {transform_indices = @transform_1, window_bounds = array<i64: 2, 1000, 128>}, {transform_indices = @transform_2, window_bounds = array<i64: 2, 1000, 128>}, {pipeline_mode = #tpu.pipeline_mode<synchronous>, transform_indices = @transform_3, window_bounds = array<i64: 1, 256>}, {transform_indices = @transform_4, window_bounds = array<i64: 1000, 256>}]} {
    %get3A = arith.constant 0 : index
    %get3A_0 = arith.constant 0 : index
    %get3A_1 = arith.constant 0 : index
    %get3A_2 = vector.load %arg3[%get3A, %get3A_0, %get3A_1] : memref<2x1000x128xf32, #tpu.memory_space<vmem>>, vector<2x1000x128xf32>
    %slice3A = vector.extract_strided_slice %get3A_2 {offsets = [0, 0, 0], sizes = [1, 1000, 1], strides = [1, 1, 1]} : vector<2x1000x128xf32> to vector<1x1000x1xf32>
    %squeeze3A = vector.shape_cast %slice3A : vector<1x1000x1xf32> to vector<1000xf32>
    %slice3A_3 = vector.extract_strided_slice %get3A_2 {offsets = [1, 0, 0], sizes = [1, 1000, 1], strides = [1, 1, 1]} : vector<2x1000x128xf32> to vector<1x1000x1xf32>
    %squeeze3A_4 = vector.shape_cast %slice3A_3 : vector<1x1000x1xf32> to vector<1000xf32>
    %add3A = arith.addf %squeeze3A, %squeeze3A_4 : vector<1000xf32>
    %add3A_5 = arith.constant 1.000000e+00 : f32
    %add3A_6 = vector.broadcast %add3A_5 : f32 to vector<1000xf32>
    %add3A_7 = arith.addf %add3A, %add3A_6 : vector<1000xf32>
    %rsqrt3A = math.rsqrt %add3A_7 : vector<1000xf32>
    %broadcast_in_dim3A = vector.shape_cast %rsqrt3A : vector<1000xf32> to vector<1x1000x1xf32>
    %get3A_8 = arith.constant 0 : index
    %get3A_9 = arith.constant 0 : index
    %get3A_10 = arith.constant 0 : index
    %get3A_11 = vector.load %arg1[%get3A_8, %get3A_9, %get3A_10] : memref<2x1000x128xf32, #tpu.memory_space<vmem>>, vector<2x1000x128xf32>
    %get3A_12 = arith.constant 0 : index
    %get3A_13 = arith.constant 0 : index
    %get3A_14 = arith.constant 0 : index
    %get3A_15 = vector.load %arg2[%get3A_12, %get3A_13, %get3A_14] : memref<2x1000x128xf32, #tpu.memory_space<vmem>>, vector<2x1000x128xf32>
    %add3A_16 = arith.addf %get3A_11, %get3A_15 : vector<2x1000x128xf32>
    %mul3A = vector.broadcast %broadcast_in_dim3A : vector<1x1000x1xf32> to vector<2x1000x128xf32>
    %mul3A_17 = arith.mulf %mul3A, %add3A_16 : vector<2x1000x128xf32>
    %slice3A_18 = vector.extract_strided_slice %mul3A_17 {offsets = [0, 0, 0], sizes = [1, 1000, 128], strides = [1, 1, 1]} : vector<2x1000x128xf32> to vector<1x1000x128xf32>
    %squeeze3A_19 = vector.shape_cast %slice3A_18 : vector<1x1000x128xf32> to vector<1000x128xf32>
    %slice3A_20 = vector.extract_strided_slice %mul3A_17 {offsets = [1, 0, 0], sizes = [1, 1000, 128], strides = [1, 1, 1]} : vector<2x1000x128xf32> to vector<1x1000x128xf32>
    %squeeze3A_21 = vector.shape_cast %slice3A_20 : vector<1x1000x128xf32> to vector<1000x128xf32>
    %concatenate3A = tpu.concatenate %squeeze3A_19, %squeeze3A_21 in 1 : vector<1000x128xf32>, vector<1000x128xf32> -> vector<1000x256xf32>
    %get3A_22 = arith.constant 0 : index
    %get3A_23 = arith.constant 0 : index
    %get3A_24 = vector.load %arg4[%get3A_22, %get3A_23] : memref<1x256xf32, #tpu.memory_space<vmem>>, vector<1x256xf32>
    %get3A_25 = vector.shape_cast %get3A_24 : vector<1x256xf32> to vector<256xf32>
    %broadcast_in_dim3A_26 = vector.shape_cast %get3A_25 : vector<256xf32> to vector<1x256xf32>
    %add3A_27 = vector.broadcast %broadcast_in_dim3A_26 : vector<1x256xf32> to vector<1000x256xf32>
    %add3A_28 = arith.addf %concatenate3A, %add3A_27 : vector<1000x256xf32>
    %swap3A = arith.constant 0 : index
    %swap3A_29 = arith.constant 0 : index
    %swap3A_30 = vector.load %arg5[%swap3A, %swap3A_29] : memref<1000x256xf32, #tpu.memory_space<vmem>>, vector<1000x256xf32>
    tpu.vector_store %arg5[%swap3A, %swap3A_29], %add3A_28 {strides = array<i32>} : memref<1000x256xf32, #tpu.memory_space<vmem>>, vector<1000x256xf32>,
    return
  }
  func.func @transform_0(%arg0: i32) -> (i32, i32, i32) {
    %c0_i32 = arith.constant 0 : i32
    %c0_i32_0 = arith.constant 0 : i32
    %c0_i32_1 = arith.constant 0 : i32
    return %c0_i32, %arg0, %c0_i32_0 : i32, i32, i32
  }
  func.func @transform_1(%arg0: i32) -> (i32, i32, i32) {
    %c0_i32 = arith.constant 0 : i32
    %c0_i32_0 = arith.constant 0 : i32
    %c0_i32_1 = arith.constant 0 : i32
    return %c0_i32, %arg0, %c0_i32_0 : i32, i32, i32
  }
  func.func @transform_2(%arg0: i32) -> (i32, i32, i32) {
    %c0_i32 = arith.constant 0 : i32
    %c0_i32_0 = arith.constant 0 : i32
    %c0_i32_1 = arith.constant 0 : i32
    return %c0_i32, %arg0, %c0_i32_0 : i32, i32, i32
  }
  func.func @transform_3(%arg0: i32) -> (i32, i32) {
    %c0_i32 = arith.constant 0 : i32
    %c0_i32_0 = arith.constant 0 : i32
    %c0_i32_1 = arith.constant 0 : i32
    return %c0_i32, %c0_i32_0 : i32, i32
  }
  func.func @transform_4(%arg0: i32) -> (i32, i32) {
    %c0_i32 = arith.constant 0 : i32
    %c0_i32_0 = arith.constant 0 : i32
    return %arg0, %c0_i32 : i32, i32
  }
}

</mosaic_0001>

<sc_bundles>
// kernel: kernel.11.cloned.1.call-start
scs
__scs_entry_jumppad:
0x0: {  	(pc) =	sbr.rel $0x88, $3  }
0x1: {  	(tag) =	ssettag $0x0;
	lr =	simm.s32 $0x1  }
0x2: {  	[smem:$0x3F99] =	sst lr;
	_ =	strace $0xD0000000  }
0x3: {  	_ = 	snop  }
0x4: {  	_ = 	snop  }
0x5: {  	_ = 	snop  }
0x6: {  	_ = 	snop  }
0x7: {  	_ = 	snop  }
__scs_overlays_trampoline_lowered:
0x8: {  	[smem:$0x3FA8] =	sst s0  }
0x9: {  	[smem:$0x3FA9] =	sst s1  }
0xa: {  	[smem:$0x3FAA] =	sst s2  }
0xb: {  	[smem:$0x3FAB] =	sst s3  }
0xc: {  	[smem:$0x3FAC] =	sst s4  }
0xd: {  	[smem:$0x3FAD] =	sst s5  }
0xe: {  	[smem:$0x3FAE] =	sst s6  }
0xf: {  	[smem:$0x3FAF] =	sst s7  }
0x10: {  	[smem:$0x3FB0] =	sst s8  }
0x11: {  	[smem:$0x3FB1] =	sst s9;
	s0 =	simm.s32 @!p0 $0x0  }
0x12: {  	s1 =	sld [smem:$0x3F97];
	s0 =	simm.s32 @p0 $0x1  }
0x13: {  	[smem:$0x3FB2] =	sst s0;
	s0 =	simm.s32 @!p1 $0x0  }
0x14: {  	s2 =	sld [smem:$0x3F96];
	s0 =	simm.s32 @p1 $0x1  }
0x15: {  	[smem:$0x3FB3] =	sst s0;
	s0 =	simm.s32 @!p2 $0x0  }
0x16: {  	s3 =	sld [smem:$0x3FDB];
	s0 =	simm.s32 @p2 $0x1  }
0x17: {  	s4 =	simm.s32 $0x1BF5;
	[smem:$0x3FB5] =	sst s0  }
0x18: {  	s0 =	sld [smem:$0x3F98];
	_ =	swait.ge [sflag:s4], $0x0  }
0x19: {  	s7 =	sld [smem:$0x3F99]  }
0x1a: {  	s8 =	sadd.s32 $0xFFFFE003, lr  }
0x1b: {  	s9 =	sadd.s32 $0xFFFFFEF7, lr;
	s5 =	simm.s32 $0xFFFFFFFF;
	p2 =	slt.u32 s8, $0xFFFFF086  }
0x1c: {  	p1 =	slt.u32 s9, $0xF7A;
	s5 =	simm.s32 @!p2 $0x0  }
0x1d: {  	s5 =	simm.s32 @p1 $0x1;
	p0 =	seq.s32 s7, s2  }
0x1e: {  	s7 =	smul.u32 @!p0 $0xF7A, s2;
	p2 =	seq.s32 @!p0 s5, $0x0  }
0x1f: {  	s9 =	smul.u32 $0xF7A, s1;
	s8 =	simm.s32 @!p0 $0x1BF5;
	p2 =	por !p2, p0  }
0x20: {  	[sflag:s8] =	ssyncset.s32 @!p0 $0xFFFFF086;
	s6 =	sadd.s32 @!p0 s3, s7;
	s7 =	simm.s32 @!p0 $0x108  }
0x21: {  	s3 =	sadd.s32 s3, s9;
	s6 =	sadd.s32 @!p0 $0x88, s6;
	s7 =	simm.s32 @p2 $0x1082  }
0x22: {  	[simem:s7], [sflag:s8] =	dma.local @!p0 [hbm:s6], $0xF7A  }
0x23: {  	s9 =	sor.u32 $0xD0000000, s2;
	s6 =	simm.s32 $0x108;
	_ =	swait.ge @!p0 [sflag:s8], $0x0  }
0x24: {  	s3 =	sadd.s32 $0x88, s3;
	s6 =	simm.s32 @!p1 $0x1082;
	[sflag:s4] =	ssyncset.s32 $0xFFFFF086  }
0x25: {  	[simem:s6], [sflag:s4] =	dma.local [hbm:s3], $0xF7A  }
0x26: {  	[smem:$0x3F99] =	sst s1;
	(tag) =	ssettag s2;
	_ =	strace s9  }
0x27: {  	s1 =	sld [smem:$0x3FA9]  }
0x28: {  	s2 =	sld [smem:$0x3FAA]  }
0x29: {  	s4 =	sld [smem:$0x3FAC]  }
0x2a: {  	p0 =	seq.s32 s5, $0x0;
	s5 =	sld [smem:$0x3FAD]  }
0x2b: {  	s6 =	sld [smem:$0x3FAE]  }
0x2c: {  	s7 =	sld [smem:$0x3FAF]  }
0x2d: {  	s3 =	simm.s32 $0x108;
	s8 =	sld [smem:$0x3FB0]  }
0x2e: {  	s3 =	simm.s32 @!p0 $0x1082;
	s9 =	sld [smem:$0x3FB1]  }
0x2f: {  	lr =	sadd.s32 s0, s3;
	s0 =	sld [smem:$0x3FA8]  }
0x30: {  	s3 =	sld [smem:$0x3FAB]  }
0x31: {  	[smem:$0x3FB4] =	sst s10  }
0x32: {  	s10 =	sld [smem:$0x3FB2];
	_ =	sdelay $0x3  }
0x33: {  	p0 =	seq.s32 s10, $0x1;
	s10 =	sld [smem:$0x3FB4];
	_ =	sdelay $0x3  }
0x34: {  	[smem:$0x3FB4] =	sst s10  }
0x35: {  	s10 =	sld [smem:$0x3FB3];
	_ =	sdelay $0x3  }
0x36: {  	p1 =	seq.s32 s10, $0x1;
	s10 =	sld [smem:$0x3FB4];
	_ =	sdelay $0x3  }
0x37: {  	[smem:$0x3FB4] =	sst s10  }
0x38: {  	s10 =	sld [smem:$0x3FB5]  }
0x39: {  	_ = 	snop;
	(pc) =	sbr.ind lr, $3  }
0x3a: {  	_ = 	snop  }
0x3b: {  	_ = 	snop  }
0x3c: {  	p2 =	seq.s32 s10, $0x1;
	s10 =	sld [smem:$0x3FB4]  }
0x3d: {  	_ =	shalt  }
0x3e: {  	_ =	shalt  }
0x3f: {  	_ =	shalt  }
0x40: {  	_ =	shalt  }
0x41: {  	_ =	shalt  }
0x42: {  	_ =	shalt  }
0x43: {  	_ =	shalt  }
0x44: {  	_ =	shalt  }
0x45: {  	_ =	shalt  }
0x46: {  	_ =	shalt  }
0x47: {  	_ =	shalt  }
0x48: {  	_ =	shalt  }
0x49: {  	_ =	shalt  }
0x4a: {  	_ =	shalt  }
0x4b: {  	_ =	shalt  }
0x4c: {  	_ =	shalt  }
0x4d: {  	_ =	shalt  }
0x4e: {  	_ =	shalt  }
0x4f: {  	_ =	shalt  }
0x50: {  	_ =	shalt  }
0x51: {  	_ =	shalt  }
0x52: {  	_ =	shalt  }
0x53: {  	_ =	shalt  }
0x54: {  	_ =	shalt  }
0x55: {  	_ =	shalt  }
0x56: {  	_ =	shalt  }
0x57: {  	_ =	shalt  }
0x58: {  	_ =	shalt  }
0x59: {  	_ =	shalt  }
0x5a: {  	_ =	shalt  }
0x5b: {  	_ =	shalt  }
0x5c: {  	_ =	shalt  }
0x5d: {  	_ =	shalt  }
0x5e: {  	_ =	shalt  }
0x5f: {  	_ =	shalt  }
0x60: {  	_ =	shalt  }
0x61: {  	_ =	shalt  }
0x62: {  	_ =	shalt  }
0x63: {  	_ =	shalt  }
0x64: {  	_ =	shalt  }
0x65: {  	_ =	shalt  }
0x66: {  	_ =	shalt  }
0x67: {  	_ =	shalt  }
0x68: {  	_ =	shalt  }
0x69: {  	_ =	shalt  }
0x6a: {  	_ =	shalt  }
0x6b: {  	_ =	shalt  }
0x6c: {  	_ =	shalt  }
0x6d: {  	_ =	shalt  }
0x6e: {  	_ =	shalt  }
0x6f: {  	_ =	shalt  }
0x70: {  	_ =	shalt  }
0x71: {  	_ =	shalt  }
0x72: {  	_ =	shalt  }
0x73: {  	_ =	shalt  }
0x74: {  	_ =	shalt  }
0x75: {  	_ =	shalt  }
0x76: {  	_ =	shalt  }
0x77: {  	_ =	shalt  }
0x78: {  	_ =	shalt  }
0x79: {  	_ =	shalt  }
0x7a: {  	_ =	shalt  }
0x7b: {  	_ =	shalt  }
0x7c: {  	_ =	shalt  }
0x7d: {  	_ =	shalt  }
0x7e: {  	_ =	shalt  }
0x7f: {  	_ =	shalt  }
0x80: {  	_ =	shalt  }
0x81: {  	_ =	shalt  }
0x82: {  	_ =	shalt  }
0x83: {  	_ =	shalt  }
0x84: {  	_ =	shalt  }
0x85: {  	_ =	shalt  }
0x86: {  	_ =	shalt  }
0x87: {  	_ =	shalt  }
.Lfunc_end0:
.L_simem_size_0:
called_computation.1_lowered:
.L_overlay_start_0:
0x88: {  	s2 =	sld [smem:$0x3FD9]  }
0x89: {  	s3 =	sld [smem:$0x3FFE];
	_ =	sdelay $0x1  }
0x8a: {  	s1 =	srdreg.scid  }
0x8b: {  	s0 =	sand.u32 $0x1, s1  }
0x8c: {  	s17 =	sshll.u32 s0, $0xA;
	s2 =	sadd.s32 s3, s2  }
0x8d: {  	s2 =	sadd.s32 s2, s17  }
0x8e: {  	[smem:$0x3FC0] =	sst s2  }
0x8f: {  	_ = 	snop  }
0x90: {  	s2 =	sld [smem:$0x3FC9]  }
0x91: {  	s18 =	sld [smem:$0x3FD0];
	(tm) =	ssettm $0x1  }
0x92: {  	s4 =	sld [smem:$0x3FFB];
	_ =	sdelay $0x3  }
0x93: {  	_ =	strace s4  }
0x94: {  	s4 =	sld [smem:$0x3FFC];
	_ =	sdelay $0x3  }
0x95: {  	_ =	strace s4  }
0x96: {  	s4 =	sld [smem:$0x3FFD];
	_ =	sdelay $0x3  }
0x97: {  	_ =	strace s4  }
0x98: {  	_ =	strace $0x8FFFFFFF  }
0x99: {  	s19 =	sld [smem:$0x3FDB];
	_ =	sdelay $0x1  }
0x9a: {  	s5 =	simm.s32 $_scs_section_size  }
0x9b: {  	s6 =	simm.s32 $_size__tile_overlayer_lowered;
	s7 =	simm.s32 $_tile_overlayer_lowered  }
0x9c: {  	s22 =	simm.s32 $0x1BFF;
	s21 =	sshll.u32 s7, $0x1;
	s4 =	sadd.s32 s5, s19  }
0x9d: {  	s8 =	simm.s32 $0x0;
	s20 =	sshll.u32 s6, $0x1;
	s6 =	sadd.s32 s21, s4  }
0x9e: {  	[timem:s8], [sflag:s22] =	dma.local [hbm:s6], s20  }
0x9f: {  	_ =	swait.ge [sflag:s22], s20  }
0xa0: {  	s5 =	ssub.s32 $0x0, s20;
	[sflag:s22] =	ssyncset.done $0x0  }
0xa1: {  	[sflag:s22] =	ssyncadd.s32 s5;
	_ =	sdelay $0x1  }
0xa2: {  	s23 =	simm.s32 $0x1B8B  }
0xa3: {  	_ =	swait.ge [sflag:s23], $0x1  }
0xa4: {  	[sflag:s23] =	ssyncset.done $0x0  }
0xa5: {  	s25 =	simm.s32 $0x1B8E;
	s24 =	sld [smem:$0x3FFE];
	[sflag:s23] =	ssyncadd.s32 $0xFFFFFFFF  }
0xa6: {  	s26 =	simm.s32 $execute0_lowered;
	[smem:$0x3FD2] =	sst s25  }
0xa7: {  	s6 =	sshll.u32 s26, $0x1;
	_ =	strace $0x80000049;
	[dreg:$0x1] =	wrdreg $0xFFFFFFFF  }
0xa8: {  	s28 =	simm.s32 $_size_execute0_lowered;
	s4 =	sadd.s32 s4, s6;
	[dreg:$0x0] =	wrdreg $0x0  }
0xa9: {  	s6 =	sshll.u32 s28, $0x1;
	[dreg:$0x2] =	wrdreg s4  }
0xaa: {  	[dreg:$0x3] =	wrdreg s6  }
0xab: {  	[dreg:$0x4] =	wrdreg $0xC0  }
0xac: {  	_ =	task [dreg:s8], $0x5FFFF  }
0xad: {  	[dreg:$0x1] =	wrdreg $0xFFFFFFFF  }
0xae: {  	[dreg:$0x0] =	wrdreg $0x60  }
0xaf: {  	[dreg:$0x2] =	wrdreg s2  }
0xb0: {  	[dreg:$0x3] =	wrdreg s18  }
0xb1: {  	[dreg:$0x4] =	wrdreg s24  }
0xb2: {  	[dreg:$0x5] =	wrdreg $0x41800  }
0xb3: {  	[dreg:$0x6] =	wrdreg $0x9  }
0xb4: {  	_ =	task.clear_ibuf [dreg:s8], $0x7FFFF;
	_ =	strace $0x90000049  }
0xb5: {  	s29 =	simm.s32 $0x9;
	_ =	strace $0x8000004B  }
0xb6: {  	_ =	swait.ge [sflag:s29], $0x1  }
0xb7: {  	[sflag:s29] =	ssyncadd.s32 $0xFFFFFFFF  }
0xb8: {  	_ =	strace $0x9000004B  }
0xb9: {  	_ =	sfence  }
0xba: {  	s30 =	sld [smem:$0x0];
	_ =	sdelay $0x2  }
0xbb: {  	s31 =	sshll.u32 s1, $0xD;
	s1 =	sshrl.u32 s1, $0x2  }
0xbc: {  	s3 =	sand.u32 $0x4000, s31;
	s1 =	sadd.s32 s1, s30  }
0xbd: {  	s0 =	sor.u32 s3, s0;
	s1 =	sshll.u32 s1, $0x11  }
0xbe: {  	s0 =	sor.u32 s1, s0  }
0xbf: {  	s0 =	sadd.s32 $0x8F2B, s0  }
0xc0: {  	[sflag:s0] =	ssyncadd.remote.s32 $0x1  }
0xc1: {  	_ =	sfence.sel $0xFFFF  }
0xc2: {  	[dreg:$0x0] =	wrdreg $0xFFFFFFFF;
	(pc) =	sbr.abs _section_cstart, $3  }
0xc3: {  	[dreg:$0x1] =	wrdreg $0xFFFFFFFF  }
0xc4: {  	_ =	task.clear_ibuf [dreg:s8], $0x2FFFF;
	_ =	strace $0x9FFFFFFF  }
0xc5: {  	(tm) =	ssettm $0x7FFFFFFF  }
tec
execute0_lowered:
.L_overlay_start_1:
0x0: {  	(tag) =	ssettag $0x1  }
0x1: {  	s10 =	rddreg [dreg:$0x0]  }
0x2: {  	s0 =	rddreg [dreg:$0x1]  }
0x3: {  	s6 =	rddreg [dreg:$0x2];
	s1 =	srdreg.scid  }
0x4: {  	s3 =	rddreg [dreg:$0x3];
	s2 =	stileid.u32  }
0x5: {  	s4 =	simm.s32 $0x0;
	s14 =	simm.s32 $0x100;
	s16 =	simm.s32 $0x1  }
0x6: {  	s7 =	sand.u32 $0x1, s1;
	s1 =	rddreg [dreg:$0x4];
	s8 =	smul.u32 $0x13C00, s2  }
0x7: {  	s17 =	simm.s32 $0x0;
	[smem:$0x7FF] =	sst s4;
	s12 =	smul.u32 $0x4F000, s2  }
0x8: {  	s30 =	sshll.u32 s2, $0x6;
	s31 =	ssub.s32 $0x4F1, s2;
	s13 =	sshll.u32 s2, $0x5  }
0x9: {  	s5 =	smul.u32 $0x13C000, s7;
	_ =	strace $0x8000004A;
	s28 =	ssub.s32 $0x2, s7  }
0xa: {  	s15 =	smul.u32 $0x2710, s7;
	s7 =	sshrl.u32 s31, $0x4;
	s10 =	sadd.s32 s13, s10  }
0xb: {  	s13 =	simm.s32 $0x80;
	s11 =	sshrl.u32 s28, $0x1;
	s5 =	sadd.s32 s8, s5  }
0xc: {  	s29 =	sshrl.u32 s12, $0x2;
	s11 =	ssub.s32 s28, s11;
	s9 =	sshrl.u32 s5, $0x3  }
0xd: {  	s12 =	sadd.s32 s29, s3;
	v0 =	vmov s15;
	s15 =	simm.s32 $0x180;
	s9 =	sadd.s32 s9, s6  }
0xe: {  	s5 =	sadd.s32 $0x2E00, s6;
	s6 =	sor.u32 $0x1C02, s30;
	s8 =	sadd.s32 $0x54600, s9  }
0xf: {  	s9 =	smax.u32 s11, $0x1;
	s11 =	sshrl.u32 s12, $0x3;
	s12 =	simm.s32 $0x2  }
.LBB2_1:
0x10: {  	[spmem:s11], [sflag:s6] =	dma.local [hbm:s5], $0x2780  }
0x11: {  	_ =	swait.ge [sflag:s12], $0x2780  }
0x12: {  	[sflag:s12] =	ssyncset.done $0x0  }
0x13: {  	[sflag:s12] =	ssyncadd.s32 $0xFFFFD880  }
0x14: {  	[bflag:$0x0] =	sbarrier.arrive $0xFFFF  }
0x15: {  	[tilespmem:s4], [sflag:$0x2] =	stream.linear.gather [hbm4b:s10+s4], $0x100, $0x38;
	[tilespmem:$0x17D80] =	vst v63  }
0x16: {  	_ =	swait.ge [sflag:s12], $0x100  }
0x17: {  	[sflag:s12] =	ssyncset.done $0x0  }
0x18: {  	[sflag:s12] =	ssyncadd.s32 $0xFFFFFF00  }
0x19: {  	v1 =	vld [tilespmem:$0x70]  }
0x1a: {  	v2 =	vld [tilespmem:$0x60]  }
0x1b: {  	v3 =	vld [tilespmem:$0x50]  }
0x1c: {  	v4 =	vld [tilespmem:$0x40]  }
0x1d: {  	v5 =	vld [tilespmem:$0x30]  }
0x1e: {  	v6 =	vld [tilespmem:$0x20];
	v1 =	vadd.s32 v0, v1  }
0x1f: {  	v7 =	vld [tilespmem:$0x10];
	v2 =	vadd.s32 v0, v2;
	[tilespmem:$0x170] =	vst v1  }
0x20: {  	v3 =	vadd.s32 v0, v3;
	v1 =	vld [tilespmem:$0x0];
	[tilespmem:$0x160] =	vst v2  }
0x21: {  	p0 =	sne.s32 s7, $0x1;
	v2 =	vadd.s32 v0, v4;
	[tilespmem:$0x150] =	vst v3  }
.Ltmp0:
0x22: {  	v3 =	vadd.s32 v0, v5;
	[tilespmem:$0x140] =	vst v2;
	(pc) =	sbr.rel @!p0 .LBB2_3-.Ltmp0, $4  }
0x23: {  	v2 =	vadd.s32 v0, v6;
	[tilespmem:$0x130] =	vst v3  }
0x24: {  	v3 =	vadd.s32 v0, v7;
	[tilespmem:$0x120] =	vst v2  }
0x25: {  	[tilespmem:$0x110] =	vst v3;
	v1 =	vadd.s32 v0, v1  }
0x26: {  	s18 =	sadd.s32 $0xFFFFFFFF, s7;
	s19 =	sadd.s32 $0x200, s10;
	[tilespmem:$0x100] =	vst v1  }
.LBB2_2:
0x27: {  	[tilespmem:s15], [sflag:$0x1] =	stream.indirect.gather [hbm4b:s0+s13], $0x80, s14, s13, $0xb8;
	[tilespmem:$0x17D80] =	vst v63  }
0x28: {  	p0 =	sne.s32 s18, $0x1;
	s18 =	sadd.s32 $0xFFFFFFFF, s18;
	_ =	swait.ge [sflag:s16], $0x4000  }
0x29: {  	[sflag:s16] =	ssyncset.done $0x0  }
0x2a: {  	[sflag:s16] =	ssyncadd.s32 $0xFFFFC000  }
0x2b: {  	[spmem:s3] =	stream.indirect.scatter.add.f32 [tilespmem:s15], [sflag:$0x2], $0x80, s13, s13, $0xb8;
	[tilespmem:$0x17D80] =	vst v63  }
0x2c: {  	_ =	swait.ge [sflag:s12], $0x4000  }
0x2d: {  	[sflag:s12] =	ssyncset.done $0x0  }
0x2e: {  	[sflag:s12] =	ssyncadd.s32 $0xFFFFC000  }
0x2f: {  	[tilespmem:s4], [sflag:$0x2] =	stream.linear.gather [hbm4b:s19+s4], $0x100, $0x38;
	[tilespmem:$0x17D80] =	vst v63  }
0x30: {  	_ =	swait.ge [sflag:s12], $0x100  }
0x31: {  	[sflag:s12] =	ssyncset.done $0x0  }
0x32: {  	[sflag:s12] =	ssyncadd.s32 $0xFFFFFF00  }
0x33: {  	v1 =	vld [tilespmem:$0x70]  }
0x34: {  	v2 =	vld [tilespmem:$0x60]  }
0x35: {  	v3 =	vld [tilespmem:$0x50]  }
0x36: {  	v4 =	vld [tilespmem:$0x40]  }
0x37: {  	v5 =	vld [tilespmem:$0x30]  }
0x38: {  	v6 =	vld [tilespmem:$0x20];
	v1 =	vadd.s32 v0, v1  }
0x39: {  	v7 =	vld [tilespmem:$0x10];
	v2 =	vadd.s32 v0, v2;
	[tilespmem:$0x170] =	vst v1  }
0x3a: {  	v1 =	vld [tilespmem:$0x0];
	v3 =	vadd.s32 v0, v3;
	[tilespmem:$0x160] =	vst v2  }
0x3b: {  	v2 =	vadd.s32 v0, v4;
	[tilespmem:$0x150] =	vst v3  }
.Ltmp1:
0x3c: {  	v3 =	vadd.s32 v0, v5;
	[tilespmem:$0x140] =	vst v2;
	(pc) =	sbr.rel @p0 .LBB2_2-.Ltmp1, $4  }
0x3d: {  	v2 =	vadd.s32 v0, v6;
	[tilespmem:$0x130] =	vst v3  }
0x3e: {  	v3 =	vadd.s32 v0, v7;
	[tilespmem:$0x120] =	vst v2  }
0x3f: {  	v1 =	vadd.s32 v0, v1;
	[tilespmem:$0x110] =	vst v3  }
0x40: {  	s19 =	sadd.s32 $0x200, s19;
	[tilespmem:$0x100] =	vst v1  }
.LBB2_3:
0x41: {  	[tilespmem:s15], [sflag:$0x1] =	stream.indirect.gather [hbm4b:s0+s13], $0x80, s14, s13, $0xb8;
	[tilespmem:$0x17D80] =	vst v63  }
0x42: {  	_ =	swait.ge [sflag:s16], $0x4000  }
0x43: {  	[sflag:s16] =	ssyncset.done $0x0  }
0x44: {  	[sflag:s16] =	ssyncadd.s32 $0xFFFFC000  }
0x45: {  	[spmem:s3] =	stream.indirect.scatter.add.f32 [tilespmem:s15], [sflag:$0x2], $0x80, s13, s13, $0xb8;
	[tilespmem:$0x17D80] =	vst v63  }
0x46: {  	_ =	swait.ge [sflag:s12], $0x4000  }
0x47: {  	s17 =	sadd.s32 $0x1, s17;
	[sflag:s12] =	ssyncset.done $0x0  }
0x48: {  	p0 =	sne.s32 s17, s9;
	[sflag:s12] =	ssyncadd.s32 $0xFFFFC000  }
.Ltmp2:
0x49: {  	[bflag:$0x0] =	sbarrier.arrive $0xFFFF;
	(pc) =	sbr.rel @p0 .LBB2_1-.Ltmp2, $4  }
0x4a: {  	[hbm:s8], [sflag:s6] =	dma.local [spmem:s11], $0x2780  }
0x4b: {  	_ =	swait.ge [sflag:s12], $0x2780  }
0x4c: {  	[sflag:s12] =	ssyncset.done $0x0  }
0x4d: {  	[sflag:s12] =	ssyncadd.s32 $0xFFFFD880  }
0x4e: {  	_ =	sfence.sel $0x180000  }
0x4f: {  	[bflag:$0x0] =	sbarrier.arrive $0xFFFF  }
0x50: {  	p0 =	sne.s32 s2, $0x0;
	_ =	strace $0x9000004A  }
0x51: {  	s0 =	sadd.s32 @!p0 $0x100000, s1;
	[bflag:$0x2] =	sbarrier.arrive $0xFFFF  }
0x52: {  	[sflag:s0] =	ssyncadd.tile.s32 @!p0 $0x1;
	_ =	shalt  }
.Lfunc_end2:
_tile_overlayer_lowered:
.L_overlay_start_2:
0x53: {  	(tag) =	ssettag $0x2  }
0x54: {  	s0 =	rddreg [dreg:$0x0];
	s2 =	stileid.u32  }
0x55: {  	s1 =	rddreg [dreg:$0x1];
	p0 =	sne.s32 s2, $0x0  }
0x56: {  	s3 =	rddreg [dreg:$0x2];
	[bflag:$0x3] =	sbarrier.arrive $0xFFFF;
	s2 =	simm.s32 @!p0 $0x1C02  }
0x57: {  	[timem:s3], [sflag:s2] =	dma.local @!p0 [hbm:s0], s1  }
0x58: {  	s0 =	simm.s32 @!p0 $0x2  }
0x59: {  	_ =	swait.ge @!p0 [sflag:s0], s1  }
0x5a: {  	s1 =	ssub.s32 @!p0 $0x0, s1;
	[sflag:s0] =	ssyncset.done @!p0 $0x0  }
0x5b: {  	[sflag:s0] =	ssyncadd.s32 @!p0 s1  }
0x5c: {  	[bflag:$0x3] =	sbarrier.arrive $0xFFFF  }
0x5d: {  	_ =	shalt  }

// kernel: kernel.14.cloned.1.call-start
scs
__scs_entry_jumppad:
0x0: {  	(pc) =	sbr.rel $0x88, $3  }
0x1: {  	(tag) =	ssettag $0x0;
	lr =	simm.s32 $0x1  }
0x2: {  	[smem:$0x3F99] =	sst lr;
	_ =	strace $0xD0000000  }
0x3: {  	_ = 	snop  }
0x4: {  	_ = 	snop  }
0x5: {  	_ = 	snop  }
0x6: {  	_ = 	snop  }
0x7: {  	_ = 	snop  }
__scs_overlays_trampoline_lowered:
0x8: {  	[smem:$0x3FA8] =	sst s0  }
0x9: {  	[smem:$0x3FA9] =	sst s1  }
0xa: {  	[smem:$0x3FAA] =	sst s2  }
0xb: {  	[smem:$0x3FAB] =	sst s3  }
0xc: {  	[smem:$0x3FAC] =	sst s4  }
0xd: {  	[smem:$0x3FAD] =	sst s5  }
0xe: {  	[smem:$0x3FAE] =	sst s6  }
0xf: {  	[smem:$0x3FAF] =	sst s7  }
0x10: {  	[smem:$0x3FB0] =	sst s8  }
0x11: {  	[smem:$0x3FB1] =	sst s9;
	s0 =	simm.s32 @!p0 $0x0  }
0x12: {  	s1 =	sld [smem:$0x3F97];
	s0 =	simm.s32 @p0 $0x1  }
0x13: {  	[smem:$0x3FB2] =	sst s0;
	s0 =	simm.s32 @!p1 $0x0  }
0x14: {  	s2 =	sld [smem:$0x3F96];
	s0 =	simm.s32 @p1 $0x1  }
0x15: {  	[smem:$0x3FB3] =	sst s0;
	s0 =	simm.s32 @!p2 $0x0  }
0x16: {  	s3 =	sld [smem:$0x3FDB];
	s0 =	simm.s32 @p2 $0x1  }
0x17: {  	s4 =	simm.s32 $0x1BF5;
	[smem:$0x3FB5] =	sst s0  }
0x18: {  	s0 =	sld [smem:$0x3F98];
	_ =	swait.ge [sflag:s4], $0x0  }
0x19: {  	s7 =	sld [smem:$0x3F99]  }
0x1a: {  	s8 =	sadd.s32 $0xFFFFE003, lr  }
0x1b: {  	s9 =	sadd.s32 $0xFFFFFEF7, lr;
	s5 =	simm.s32 $0xFFFFFFFF;
	p2 =	slt.u32 s8, $0xFFFFF086  }
0x1c: {  	p1 =	slt.u32 s9, $0xF7A;
	s5 =	simm.s32 @!p2 $0x0  }
0x1d: {  	s5 =	simm.s32 @p1 $0x1;
	p0 =	seq.s32 s7, s2  }
0x1e: {  	s7 =	smul.u32 @!p0 $0xF7A, s2;
	p2 =	seq.s32 @!p0 s5, $0x0  }
0x1f: {  	s9 =	smul.u32 $0xF7A, s1;
	s8 =	simm.s32 @!p0 $0x1BF5;
	p2 =	por !p2, p0  }
0x20: {  	[sflag:s8] =	ssyncset.s32 @!p0 $0xFFFFF086;
	s6 =	sadd.s32 @!p0 s3, s7;
	s7 =	simm.s32 @!p0 $0x108  }
0x21: {  	s3 =	sadd.s32 s3, s9;
	s6 =	sadd.s32 @!p0 $0x88, s6;
	s7 =	simm.s32 @p2 $0x1082  }
0x22: {  	[simem:s7], [sflag:s8] =	dma.local @!p0 [hbm:s6], $0xF7A  }
0x23: {  	s9 =	sor.u32 $0xD0000000, s2;
	s6 =	simm.s32 $0x108;
	_ =	swait.ge @!p0 [sflag:s8], $0x0  }
0x24: {  	s3 =	sadd.s32 $0x88, s3;
	s6 =	simm.s32 @!p1 $0x1082;
	[sflag:s4] =	ssyncset.s32 $0xFFFFF086  }
0x25: {  	[simem:s6], [sflag:s4] =	dma.local [hbm:s3], $0xF7A  }
0x26: {  	[smem:$0x3F99] =	sst s1;
	(tag) =	ssettag s2;
	_ =	strace s9  }
0x27: {  	s1 =	sld [smem:$0x3FA9]  }
0x28: {  	s2 =	sld [smem:$0x3FAA]  }
0x29: {  	s4 =	sld [smem:$0x3FAC]  }
0x2a: {  	p0 =	seq.s32 s5, $0x0;
	s5 =	sld [smem:$0x3FAD]  }
0x2b: {  	s6 =	sld [smem:$0x3FAE]  }
0x2c: {  	s7 =	sld [smem:$0x3FAF]  }
0x2d: {  	s3 =	simm.s32 $0x108;
	s8 =	sld [smem:$0x3FB0]  }
0x2e: {  	s3 =	simm.s32 @!p0 $0x1082;
	s9 =	sld [smem:$0x3FB1]  }
0x2f: {  	lr =	sadd.s32 s0, s3;
	s0 =	sld [smem:$0x3FA8]  }
0x30: {  	s3 =	sld [smem:$0x3FAB]  }
0x31: {  	[smem:$0x3FB4] =	sst s10  }
0x32: {  	s10 =	sld [smem:$0x3FB2];
	_ =	sdelay $0x3  }
0x33: {  	p0 =	seq.s32 s10, $0x1;
	s10 =	sld [smem:$0x3FB4];
	_ =	sdelay $0x3  }
0x34: {  	[smem:$0x3FB4] =	sst s10  }
0x35: {  	s10 =	sld [smem:$0x3FB3];
	_ =	sdelay $0x3  }
0x36: {  	p1 =	seq.s32 s10, $0x1;
	s10 =	sld [smem:$0x3FB4];
	_ =	sdelay $0x3  }
0x37: {  	[smem:$0x3FB4] =	sst s10  }
0x38: {  	s10 =	sld [smem:$0x3FB5]  }
0x39: {  	_ = 	snop;
	(pc) =	sbr.ind lr, $3  }
0x3a: {  	_ = 	snop  }
0x3b: {  	_ = 	snop  }
0x3c: {  	p2 =	seq.s32 s10, $0x1;
	s10 =	sld [smem:$0x3FB4]  }
0x3d: {  	_ =	shalt  }
0x3e: {  	_ =	shalt  }
0x3f: {  	_ =	shalt  }
0x40: {  	_ =	shalt  }
0x41: {  	_ =	shalt  }
0x42: {  	_ =	shalt  }
0x43: {  	_ =	shalt  }
0x44: {  	_ =	shalt  }
0x45: {  	_ =	shalt  }
0x46: {  	_ =	shalt  }
0x47: {  	_ =	shalt  }
0x48: {  	_ =	shalt  }
0x49: {  	_ =	shalt  }
0x4a: {  	_ =	shalt  }
0x4b: {  	_ =	shalt  }
0x4c: {  	_ =	shalt  }
0x4d: {  	_ =	shalt  }
0x4e: {  	_ =	shalt  }
0x4f: {  	_ =	shalt  }
0x50: {  	_ =	shalt  }
0x51: {  	_ =	shalt  }
0x52: {  	_ =	shalt  }
0x53: {  	_ =	shalt  }
0x54: {  	_ =	shalt  }
0x55: {  	_ =	shalt  }
0x56: {  	_ =	shalt  }
0x57: {  	_ =	shalt  }
0x58: {  	_ =	shalt  }
0x59: {  	_ =	shalt  }
0x5a: {  	_ =	shalt  }
0x5b: {  	_ =	shalt  }
0x5c: {  	_ =	shalt  }
0x5d: {  	_ =	shalt  }
0x5e: {  	_ =	shalt  }
0x5f: {  	_ =	shalt  }
0x60: {  	_ =	shalt  }
0x61: {  	_ =	shalt  }
0x62: {  	_ =	shalt  }
0x63: {  	_ =	shalt  }
0x64: {  	_ =	shalt  }
0x65: {  	_ =	shalt  }
0x66: {  	_ =	shalt  }
0x67: {  	_ =	shalt  }
0x68: {  	_ =	shalt  }
0x69: {  	_ =	shalt  }
0x6a: {  	_ =	shalt  }
0x6b: {  	_ =	shalt  }
0x6c: {  	_ =	shalt  }
0x6d: {  	_ =	shalt  }
0x6e: {  	_ =	shalt  }
0x6f: {  	_ =	shalt  }
0x70: {  	_ =	shalt  }
0x71: {  	_ =	shalt  }
0x72: {  	_ =	shalt  }
0x73: {  	_ =	shalt  }
0x74: {  	_ =	shalt  }
0x75: {  	_ =	shalt  }
0x76: {  	_ =	shalt  }
0x77: {  	_ =	shalt  }
0x78: {  	_ =	shalt  }
0x79: {  	_ =	shalt  }
0x7a: {  	_ =	shalt  }
0x7b: {  	_ =	shalt  }
0x7c: {  	_ =	shalt  }
0x7d: {  	_ =	shalt  }
0x7e: {  	_ =	shalt  }
0x7f: {  	_ =	shalt  }
0x80: {  	_ =	shalt  }
0x81: {  	_ =	shalt  }
0x82: {  	_ =	shalt  }
0x83: {  	_ =	shalt  }
0x84: {  	_ =	shalt  }
0x85: {  	_ =	shalt  }
0x86: {  	_ =	shalt  }
0x87: {  	_ =	shalt  }
.Lfunc_end0:
.L_simem_size_0:
called_computation.2_lowered:
.L_overlay_start_0:
0x88: {  	s2 =	sld [smem:$0x3FD9]  }
0x89: {  	s3 =	sld [smem:$0x3FFE];
	_ =	sdelay $0x1  }
0x8a: {  	s1 =	srdreg.scid  }
0x8b: {  	s0 =	sand.u32 $0x1, s1  }
0x8c: {  	s17 =	sshll.u32 s0, $0xA;
	s2 =	sadd.s32 s3, s2  }
0x8d: {  	s2 =	sadd.s32 s2, s17  }
0x8e: {  	[smem:$0x3FC0] =	sst s2  }
0x8f: {  	_ = 	snop  }
0x90: {  	s2 =	sld [smem:$0x3FC9]  }
0x91: {  	s18 =	sld [smem:$0x3FD0];
	(tm) =	ssettm $0x1  }
0x92: {  	s4 =	sld [smem:$0x3FFB];
	_ =	sdelay $0x3  }
0x93: {  	_ =	strace s4  }
0x94: {  	s4 =	sld [smem:$0x3FFC];
	_ =	sdelay $0x3  }
0x95: {  	_ =	strace s4  }
0x96: {  	s4 =	sld [smem:$0x3FFD];
	_ =	sdelay $0x3  }
0x97: {  	_ =	strace s4  }
0x98: {  	_ =	strace $0x8FFFFFFF  }
0x99: {  	s19 =	sld [smem:$0x3FDB];
	_ =	sdelay $0x1  }
0x9a: {  	s5 =	simm.s32 $_scs_section_size  }
0x9b: {  	s6 =	simm.s32 $_size__tile_overlayer_lowered;
	s7 =	simm.s32 $_tile_overlayer_lowered  }
0x9c: {  	s22 =	simm.s32 $0x1BFF;
	s21 =	sshll.u32 s7, $0x1;
	s4 =	sadd.s32 s5, s19  }
0x9d: {  	s8 =	simm.s32 $0x0;
	s20 =	sshll.u32 s6, $0x1;
	s6 =	sadd.s32 s21, s4  }
0x9e: {  	[timem:s8], [sflag:s22] =	dma.local [hbm:s6], s20  }
0x9f: {  	_ =	swait.ge [sflag:s22], s20  }
0xa0: {  	s5 =	ssub.s32 $0x0, s20;
	[sflag:s22] =	ssyncset.done $0x0  }
0xa1: {  	[sflag:s22] =	ssyncadd.s32 s5;
	_ =	sdelay $0x1  }
0xa2: {  	s23 =	simm.s32 $0x1B8B  }
0xa3: {  	_ =	swait.ge [sflag:s23], $0x1  }
0xa4: {  	[sflag:s23] =	ssyncset.done $0x0  }
0xa5: {  	s25 =	simm.s32 $0x1B8E;
	s24 =	sld [smem:$0x3FFE];
	[sflag:s23] =	ssyncadd.s32 $0xFFFFFFFF  }
0xa6: {  	s26 =	simm.s32 $execute0_lowered;
	[smem:$0x3FD2] =	sst s25  }
0xa7: {  	s6 =	sshll.u32 s26, $0x1;
	_ =	strace $0x8000004C;
	[dreg:$0x1] =	wrdreg $0xFFFFFFFF  }
0xa8: {  	s28 =	simm.s32 $_size_execute0_lowered;
	s4 =	sadd.s32 s4, s6;
	[dreg:$0x0] =	wrdreg $0x0  }
0xa9: {  	s6 =	sshll.u32 s28, $0x1;
	[dreg:$0x2] =	wrdreg s4  }
0xaa: {  	[dreg:$0x3] =	wrdreg s6  }
0xab: {  	[dreg:$0x4] =	wrdreg $0xC0  }
0xac: {  	_ =	task [dreg:s8], $0x5FFFF  }
0xad: {  	[dreg:$0x1] =	wrdreg $0xFFFFFFFF  }
0xae: {  	[dreg:$0x0] =	wrdreg $0x60  }
0xaf: {  	[dreg:$0x2] =	wrdreg s2  }
0xb0: {  	[dreg:$0x3] =	wrdreg s18  }
0xb1: {  	[dreg:$0x4] =	wrdreg s24  }
0xb2: {  	[dreg:$0x5] =	wrdreg $0x41800  }
0xb3: {  	[dreg:$0x6] =	wrdreg $0x9  }
0xb4: {  	_ =	task.clear_ibuf [dreg:s8], $0x7FFFF;
	_ =	strace $0x9000004C  }
0xb5: {  	s29 =	simm.s32 $0x9;
	_ =	strace $0x8000004E  }
0xb6: {  	_ =	swait.ge [sflag:s29], $0x1  }
0xb7: {  	[sflag:s29] =	ssyncadd.s32 $0xFFFFFFFF  }
0xb8: {  	_ =	strace $0x9000004E  }
0xb9: {  	_ =	sfence  }
0xba: {  	s30 =	sld [smem:$0x0];
	_ =	sdelay $0x2  }
0xbb: {  	s31 =	sshll.u32 s1, $0xD;
	s1 =	sshrl.u32 s1, $0x2  }
0xbc: {  	s3 =	sand.u32 $0x4000, s31;
	s1 =	sadd.s32 s1, s30  }
0xbd: {  	s0 =	sor.u32 s3, s0;
	s1 =	sshll.u32 s1, $0x11  }
0xbe: {  	s0 =	sor.u32 s1, s0  }
0xbf: {  	s0 =	sadd.s32 $0x8F2B, s0  }
0xc0: {  	[sflag:s0] =	ssyncadd.remote.s32 $0x1  }
0xc1: {  	_ =	sfence.sel $0xFFFF  }
0xc2: {  	[dreg:$0x0] =	wrdreg $0xFFFFFFFF;
	(pc) =	sbr.abs _section_cstart, $3  }
0xc3: {  	[dreg:$0x1] =	wrdreg $0xFFFFFFFF  }
0xc4: {  	_ =	task.clear_ibuf [dreg:s8], $0x2FFFF;
	_ =	strace $0x9FFFFFFF  }
0xc5: {  	(tm) =	ssettm $0x7FFFFFFF  }
tec
execute0_lowered:
.L_overlay_start_1:
0x0: {  	(tag) =	ssettag $0x1  }
0x1: {  	s10 =	rddreg [dreg:$0x0]  }
0x2: {  	s0 =	rddreg [dreg:$0x1]  }
0x3: {  	s6 =	rddreg [dreg:$0x2];
	s1 =	srdreg.scid  }
0x4: {  	s3 =	rddreg [dreg:$0x3];
	s2 =	stileid.u32  }
0x5: {  	s4 =	simm.s32 $0x0;
	s14 =	simm.s32 $0x100;
	s16 =	simm.s32 $0x1  }
0x6: {  	s7 =	sand.u32 $0x1, s1;
	s1 =	rddreg [dreg:$0x4];
	s8 =	smul.u32 $0x13C00, s2  }
0x7: {  	s17 =	simm.s32 $0x0;
	[smem:$0x7FF] =	sst s4;
	s12 =	smul.u32 $0x4F000, s2  }
0x8: {  	s30 =	sshll.u32 s2, $0x6;
	s31 =	ssub.s32 $0x4F1, s2;
	s13 =	sshll.u32 s2, $0x5  }
0x9: {  	s5 =	smul.u32 $0x13C000, s7;
	_ =	strace $0x8000004D;
	s28 =	ssub.s32 $0x2, s7  }
0xa: {  	s15 =	smul.u32 $0x2710, s7;
	s7 =	sshrl.u32 s31, $0x4;
	s10 =	sadd.s32 s13, s10  }
0xb: {  	s13 =	simm.s32 $0x80;
	s11 =	sshrl.u32 s28, $0x1;
	s5 =	sadd.s32 s8, s5  }
0xc: {  	s29 =	sshrl.u32 s12, $0x2;
	s11 =	ssub.s32 s28, s11;
	s9 =	sshrl.u32 s5, $0x3  }
0xd: {  	s12 =	sadd.s32 s29, s3;
	v0 =	vmov s15;
	s15 =	simm.s32 $0x180;
	s9 =	sadd.s32 s9, s6  }
0xe: {  	s5 =	sadd.s32 $0x2E00, s6;
	s6 =	sor.u32 $0x1C02, s30;
	s8 =	sadd.s32 $0x54600, s9  }
0xf: {  	s9 =	smax.u32 s11, $0x1;
	s11 =	sshrl.u32 s12, $0x3;
	s12 =	simm.s32 $0x2  }
.LBB2_1:
0x10: {  	[spmem:s11], [sflag:s6] =	dma.local [hbm:s5], $0x2780  }
0x11: {  	_ =	swait.ge [sflag:s12], $0x2780  }
0x12: {  	[sflag:s12] =	ssyncset.done $0x0  }
0x13: {  	[sflag:s12] =	ssyncadd.s32 $0xFFFFD880  }
0x14: {  	[bflag:$0x0] =	sbarrier.arrive $0xFFFF  }
0x15: {  	[tilespmem:s4], [sflag:$0x2] =	stream.linear.gather [hbm4b:s10+s4], $0x100, $0x38;
	[tilespmem:$0x17D80] =	vst v63  }
0x16: {  	_ =	swait.ge [sflag:s12], $0x100  }
0x17: {  	[sflag:s12] =	ssyncset.done $0x0  }
0x18: {  	[sflag:s12] =	ssyncadd.s32 $0xFFFFFF00  }
0x19: {  	v1 =	vld [tilespmem:$0x70]  }
0x1a: {  	v2 =	vld [tilespmem:$0x60]  }
0x1b: {  	v3 =	vld [tilespmem:$0x50]  }
0x1c: {  	v4 =	vld [tilespmem:$0x40]  }
0x1d: {  	v5 =	vld [tilespmem:$0x30]  }
0x1e: {  	v6 =	vld [tilespmem:$0x20];
	v1 =	vadd.s32 v0, v1  }
0x1f: {  	v7 =	vld [tilespmem:$0x10];
	v2 =	vadd.s32 v0, v2;
	[tilespmem:$0x170] =	vst v1  }
0x20: {  	v3 =	vadd.s32 v0, v3;
	v1 =	vld [tilespmem:$0x0];
	[tilespmem:$0x160] =	vst v2  }
0x21: {  	p0 =	sne.s32 s7, $0x1;
	v2 =	vadd.s32 v0, v4;
	[tilespmem:$0x150] =	vst v3  }
.Ltmp0:
0x22: {  	v3 =	vadd.s32 v0, v5;
	[tilespmem:$0x140] =	vst v2;
	(pc) =	sbr.rel @!p0 .LBB2_3-.Ltmp0, $4  }
0x23: {  	v2 =	vadd.s32 v0, v6;
	[tilespmem:$0x130] =	vst v3  }
0x24: {  	v3 =	vadd.s32 v0, v7;
	[tilespmem:$0x120] =	vst v2  }
0x25: {  	[tilespmem:$0x110] =	vst v3;
	v1 =	vadd.s32 v0, v1  }
0x26: {  	s18 =	sadd.s32 $0xFFFFFFFF, s7;
	s19 =	sadd.s32 $0x200, s10;
	[tilespmem:$0x100] =	vst v1  }
.LBB2_2:
0x27: {  	[tilespmem:s15], [sflag:$0x1] =	stream.indirect.gather [hbm4b:s0+s13], $0x80, s14, s13, $0xb8;
	[tilespmem:$0x17D80] =	vst v63  }
0x28: {  	p0 =	sne.s32 s18, $0x1;
	s18 =	sadd.s32 $0xFFFFFFFF, s18;
	_ =	swait.ge [sflag:s16], $0x4000  }
0x29: {  	[sflag:s16] =	ssyncset.done $0x0  }
0x2a: {  	[sflag:s16] =	ssyncadd.s32 $0xFFFFC000  }
0x2b: {  	[spmem:s3] =	stream.indirect.scatter.add.f32 [tilespmem:s15], [sflag:$0x2], $0x80, s13, s13, $0xb8;
	[tilespmem:$0x17D80] =	vst v63  }
0x2c: {  	_ =	swait.ge [sflag:s12], $0x4000  }
0x2d: {  	[sflag:s12] =	ssyncset.done $0x0  }
0x2e: {  	[sflag:s12] =	ssyncadd.s32 $0xFFFFC000  }
0x2f: {  	[tilespmem:s4], [sflag:$0x2] =	stream.linear.gather [hbm4b:s19+s4], $0x100, $0x38;
	[tilespmem:$0x17D80] =	vst v63  }
0x30: {  	_ =	swait.ge [sflag:s12], $0x100  }
0x31: {  	[sflag:s12] =	ssyncset.done $0x0  }
0x32: {  	[sflag:s12] =	ssyncadd.s32 $0xFFFFFF00  }
0x33: {  	v1 =	vld [tilespmem:$0x70]  }
0x34: {  	v2 =	vld [tilespmem:$0x60]  }
0x35: {  	v3 =	vld [tilespmem:$0x50]  }
0x36: {  	v4 =	vld [tilespmem:$0x40]  }
0x37: {  	v5 =	vld [tilespmem:$0x30]  }
0x38: {  	v6 =	vld [tilespmem:$0x20];
	v1 =	vadd.s32 v0, v1  }
0x39: {  	v7 =	vld [tilespmem:$0x10];
	v2 =	vadd.s32 v0, v2;
	[tilespmem:$0x170] =	vst v1  }
0x3a: {  	v1 =	vld [tilespmem:$0x0];
	v3 =	vadd.s32 v0, v3;
	[tilespmem:$0x160] =	vst v2  }
0x3b: {  	v2 =	vadd.s32 v0, v4;
	[tilespmem:$0x150] =	vst v3  }
.Ltmp1:
0x3c: {  	v3 =	vadd.s32 v0, v5;
	[tilespmem:$0x140] =	vst v2;
	(pc) =	sbr.rel @p0 .LBB2_2-.Ltmp1, $4  }
0x3d: {  	v2 =	vadd.s32 v0, v6;
	[tilespmem:$0x130] =	vst v3  }
0x3e: {  	v3 =	vadd.s32 v0, v7;
	[tilespmem:$0x120] =	vst v2  }
0x3f: {  	v1 =	vadd.s32 v0, v1;
	[tilespmem:$0x110] =	vst v3  }
0x40: {  	s19 =	sadd.s32 $0x200, s19;
	[tilespmem:$0x100] =	vst v1  }
.LBB2_3:
0x41: {  	[tilespmem:s15], [sflag:$0x1] =	stream.indirect.gather [hbm4b:s0+s13], $0x80, s14, s13, $0xb8;
	[tilespmem:$0x17D80] =	vst v63  }
0x42: {  	_ =	swait.ge [sflag:s16], $0x4000  }
0x43: {  	[sflag:s16] =	ssyncset.done $0x0  }
0x44: {  	[sflag:s16] =	ssyncadd.s32 $0xFFFFC000  }
0x45: {  	[spmem:s3] =	stream.indirect.scatter.add.f32 [tilespmem:s15], [sflag:$0x2], $0x80, s13, s13, $0xb8;
	[tilespmem:$0x17D80] =	vst v63  }
0x46: {  	_ =	swait.ge [sflag:s12], $0x4000  }
0x47: {  	s17 =	sadd.s32 $0x1, s17;
	[sflag:s12] =	ssyncset.done $0x0  }
0x48: {  	p0 =	sne.s32 s17, s9;
	[sflag:s12] =	ssyncadd.s32 $0xFFFFC000  }
.Ltmp2:
0x49: {  	[bflag:$0x0] =	sbarrier.arrive $0xFFFF;
	(pc) =	sbr.rel @p0 .LBB2_1-.Ltmp2, $4  }
0x4a: {  	[hbm:s8], [sflag:s6] =	dma.local [spmem:s11], $0x2780  }
0x4b: {  	_ =	swait.ge [sflag:s12], $0x2780  }
0x4c: {  	[sflag:s12] =	ssyncset.done $0x0  }
0x4d: {  	[sflag:s12] =	ssyncadd.s32 $0xFFFFD880  }
0x4e: {  	_ =	sfence.sel $0x180000  }
0x4f: {  	[bflag:$0x0] =	sbarrier.arrive $0xFFFF  }
0x50: {  	p0 =	sne.s32 s2, $0x0;
	_ =	strace $0x9000004D  }
0x51: {  	s0 =	sadd.s32 @!p0 $0x100000, s1;
	[bflag:$0x2] =	sbarrier.arrive $0xFFFF  }
0x52: {  	[sflag:s0] =	ssyncadd.tile.s32 @!p0 $0x1;
	_ =	shalt  }
.Lfunc_end2:
_tile_overlayer_lowered:
.L_overlay_start_2:
0x53: {  	(tag) =	ssettag $0x2  }
0x54: {  	s0 =	rddreg [dreg:$0x0];
	s2 =	stileid.u32  }
0x55: {  	s1 =	rddreg [dreg:$0x1];
	p0 =	sne.s32 s2, $0x0  }
0x56: {  	s3 =	rddreg [dreg:$0x2];
	[bflag:$0x3] =	sbarrier.arrive $0xFFFF;
	s2 =	simm.s32 @!p0 $0x1C02  }
0x57: {  	[timem:s3], [sflag:s2] =	dma.local @!p0 [hbm:s0], s1  }
0x58: {  	s0 =	simm.s32 @!p0 $0x2  }
0x59: {  	_ =	swait.ge @!p0 [sflag:s0], s1  }
0x5a: {  	s1 =	ssub.s32 @!p0 $0x0, s1;
	[sflag:s0] =	ssyncset.done @!p0 $0x0  }
0x5b: {  	[sflag:s0] =	ssyncadd.s32 @!p0 s1  }
0x5c: {  	[bflag:$0x3] =	sbarrier.arrive $0xFFFF  }
0x5d: {  	_ =	shalt  }

// kernel: kernel.8.cloned.1.call-start
scs
__scs_entry_jumppad:
0x0: {  	(pc) =	sbr.rel $0x88, $3  }
0x1: {  	(tag) =	ssettag $0x0;
	lr =	simm.s32 $0x1  }
0x2: {  	[smem:$0x3F99] =	sst lr;
	_ =	strace $0xD0000000  }
0x3: {  	_ = 	snop  }
0x4: {  	_ = 	snop  }
0x5: {  	_ = 	snop  }
0x6: {  	_ = 	snop  }
0x7: {  	_ = 	snop  }
__scs_overlays_trampoline_lowered:
0x8: {  	[smem:$0x3FA8] =	sst s0  }
0x9: {  	[smem:$0x3FA9] =	sst s1  }
0xa: {  	[smem:$0x3FAA] =	sst s2  }
0xb: {  	[smem:$0x3FAB] =	sst s3  }
0xc: {  	[smem:$0x3FAC] =	sst s4  }
0xd: {  	[smem:$0x3FAD] =	sst s5  }
0xe: {  	[smem:$0x3FAE] =	sst s6  }
0xf: {  	[smem:$0x3FAF] =	sst s7  }
0x10: {  	[smem:$0x3FB0] =	sst s8  }
0x11: {  	[smem:$0x3FB1] =	sst s9;
	s0 =	simm.s32 @!p0 $0x0  }
0x12: {  	s1 =	sld [smem:$0x3F97];
	s0 =	simm.s32 @p0 $0x1  }
0x13: {  	[smem:$0x3FB2] =	sst s0;
	s0 =	simm.s32 @!p1 $0x0  }
0x14: {  	s2 =	sld [smem:$0x3F96];
	s0 =	simm.s32 @p1 $0x1  }
0x15: {  	[smem:$0x3FB3] =	sst s0;
	s0 =	simm.s32 @!p2 $0x0  }
0x16: {  	s3 =	sld [smem:$0x3FDB];
	s0 =	simm.s32 @p2 $0x1  }
0x17: {  	s4 =	simm.s32 $0x1BF5;
	[smem:$0x3FB5] =	sst s0  }
0x18: {  	s0 =	sld [smem:$0x3F98];
	_ =	swait.ge [sflag:s4], $0x0  }
0x19: {  	s7 =	sld [smem:$0x3F99]  }
0x1a: {  	s8 =	sadd.s32 $0xFFFFE003, lr  }
0x1b: {  	s9 =	sadd.s32 $0xFFFFFEF7, lr;
	s5 =	simm.s32 $0xFFFFFFFF;
	p2 =	slt.u32 s8, $0xFFFFF086  }
0x1c: {  	p1 =	slt.u32 s9, $0xF7A;
	s5 =	simm.s32 @!p2 $0x0  }
0x1d: {  	s5 =	simm.s32 @p1 $0x1;
	p0 =	seq.s32 s7, s2  }
0x1e: {  	s7 =	smul.u32 @!p0 $0xF7A, s2;
	p2 =	seq.s32 @!p0 s5, $0x0  }
0x1f: {  	s9 =	smul.u32 $0xF7A, s1;
	s8 =	simm.s32 @!p0 $0x1BF5;
	p2 =	por !p2, p0  }
0x20: {  	[sflag:s8] =	ssyncset.s32 @!p0 $0xFFFFF086;
	s6 =	sadd.s32 @!p0 s3, s7;
	s7 =	simm.s32 @!p0 $0x108  }
0x21: {  	s3 =	sadd.s32 s3, s9;
	s6 =	sadd.s32 @!p0 $0x88, s6;
	s7 =	simm.s32 @p2 $0x1082  }
0x22: {  	[simem:s7], [sflag:s8] =	dma.local @!p0 [hbm:s6], $0xF7A  }
0x23: {  	s9 =	sor.u32 $0xD0000000, s2;
	s6 =	simm.s32 $0x108;
	_ =	swait.ge @!p0 [sflag:s8], $0x0  }
0x24: {  	s3 =	sadd.s32 $0x88, s3;
	s6 =	simm.s32 @!p1 $0x1082;
	[sflag:s4] =	ssyncset.s32 $0xFFFFF086  }
0x25: {  	[simem:s6], [sflag:s4] =	dma.local [hbm:s3], $0xF7A  }
0x26: {  	[smem:$0x3F99] =	sst s1;
	(tag) =	ssettag s2;
	_ =	strace s9  }
0x27: {  	s1 =	sld [smem:$0x3FA9]  }
0x28: {  	s2 =	sld [smem:$0x3FAA]  }
0x29: {  	s4 =	sld [smem:$0x3FAC]  }
0x2a: {  	p0 =	seq.s32 s5, $0x0;
	s5 =	sld [smem:$0x3FAD]  }
0x2b: {  	s6 =	sld [smem:$0x3FAE]  }
0x2c: {  	s7 =	sld [smem:$0x3FAF]  }
0x2d: {  	s3 =	simm.s32 $0x108;
	s8 =	sld [smem:$0x3FB0]  }
0x2e: {  	s3 =	simm.s32 @!p0 $0x1082;
	s9 =	sld [smem:$0x3FB1]  }
0x2f: {  	lr =	sadd.s32 s0, s3;
	s0 =	sld [smem:$0x3FA8]  }
0x30: {  	s3 =	sld [smem:$0x3FAB]  }
0x31: {  	[smem:$0x3FB4] =	sst s10  }
0x32: {  	s10 =	sld [smem:$0x3FB2];
	_ =	sdelay $0x3  }
0x33: {  	p0 =	seq.s32 s10, $0x1;
	s10 =	sld [smem:$0x3FB4];
	_ =	sdelay $0x3  }
0x34: {  	[smem:$0x3FB4] =	sst s10  }
0x35: {  	s10 =	sld [smem:$0x3FB3];
	_ =	sdelay $0x3  }
0x36: {  	p1 =	seq.s32 s10, $0x1;
	s10 =	sld [smem:$0x3FB4];
	_ =	sdelay $0x3  }
0x37: {  	[smem:$0x3FB4] =	sst s10  }
0x38: {  	s10 =	sld [smem:$0x3FB5]  }
0x39: {  	_ = 	snop;
	(pc) =	sbr.ind lr, $3  }
0x3a: {  	_ = 	snop  }
0x3b: {  	_ = 	snop  }
0x3c: {  	p2 =	seq.s32 s10, $0x1;
	s10 =	sld [smem:$0x3FB4]  }
0x3d: {  	_ =	shalt  }
0x3e: {  	_ =	shalt  }
0x3f: {  	_ =	shalt  }
0x40: {  	_ =	shalt  }
0x41: {  	_ =	shalt  }
0x42: {  	_ =	shalt  }
0x43: {  	_ =	shalt  }
0x44: {  	_ =	shalt  }
0x45: {  	_ =	shalt  }
0x46: {  	_ =	shalt  }
0x47: {  	_ =	shalt  }
0x48: {  	_ =	shalt  }
0x49: {  	_ =	shalt  }
0x4a: {  	_ =	shalt  }
0x4b: {  	_ =	shalt  }
0x4c: {  	_ =	shalt  }
0x4d: {  	_ =	shalt  }
0x4e: {  	_ =	shalt  }
0x4f: {  	_ =	shalt  }
0x50: {  	_ =	shalt  }
0x51: {  	_ =	shalt  }
0x52: {  	_ =	shalt  }
0x53: {  	_ =	shalt  }
0x54: {  	_ =	shalt  }
0x55: {  	_ =	shalt  }
0x56: {  	_ =	shalt  }
0x57: {  	_ =	shalt  }
0x58: {  	_ =	shalt  }
0x59: {  	_ =	shalt  }
0x5a: {  	_ =	shalt  }
0x5b: {  	_ =	shalt  }
0x5c: {  	_ =	shalt  }
0x5d: {  	_ =	shalt  }
0x5e: {  	_ =	shalt  }
0x5f: {  	_ =	shalt  }
0x60: {  	_ =	shalt  }
0x61: {  	_ =	shalt  }
0x62: {  	_ =	shalt  }
0x63: {  	_ =	shalt  }
0x64: {  	_ =	shalt  }
0x65: {  	_ =	shalt  }
0x66: {  	_ =	shalt  }
0x67: {  	_ =	shalt  }
0x68: {  	_ =	shalt  }
0x69: {  	_ =	shalt  }
0x6a: {  	_ =	shalt  }
0x6b: {  	_ =	shalt  }
0x6c: {  	_ =	shalt  }
0x6d: {  	_ =	shalt  }
0x6e: {  	_ =	shalt  }
0x6f: {  	_ =	shalt  }
0x70: {  	_ =	shalt  }
0x71: {  	_ =	shalt  }
0x72: {  	_ =	shalt  }
0x73: {  	_ =	shalt  }
0x74: {  	_ =	shalt  }
0x75: {  	_ =	shalt  }
0x76: {  	_ =	shalt  }
0x77: {  	_ =	shalt  }
0x78: {  	_ =	shalt  }
0x79: {  	_ =	shalt  }
0x7a: {  	_ =	shalt  }
0x7b: {  	_ =	shalt  }
0x7c: {  	_ =	shalt  }
0x7d: {  	_ =	shalt  }
0x7e: {  	_ =	shalt  }
0x7f: {  	_ =	shalt  }
0x80: {  	_ =	shalt  }
0x81: {  	_ =	shalt  }
0x82: {  	_ =	shalt  }
0x83: {  	_ =	shalt  }
0x84: {  	_ =	shalt  }
0x85: {  	_ =	shalt  }
0x86: {  	_ =	shalt  }
0x87: {  	_ =	shalt  }
.Lfunc_end0:
.L_simem_size_0:
called_computation_lowered:
.L_overlay_start_0:
0x88: {  	s2 =	sld [smem:$0x3FD9]  }
0x89: {  	s3 =	sld [smem:$0x3FFE];
	_ =	sdelay $0x1  }
0x8a: {  	s1 =	srdreg.scid  }
0x8b: {  	s0 =	sand.u32 $0x1, s1  }
0x8c: {  	s17 =	sshll.u32 s0, $0xA;
	s2 =	sadd.s32 s3, s2  }
0x8d: {  	s2 =	sadd.s32 s2, s17  }
0x8e: {  	[smem:$0x3FC0] =	sst s2  }
0x8f: {  	_ = 	snop  }
0x90: {  	s2 =	sld [smem:$0x3FD0];
	(tm) =	ssettm $0x1  }
0x91: {  	s18 =	sld [smem:$0x3FFB];
	_ =	sdelay $0x3  }
0x92: {  	_ =	strace s18  }
0x93: {  	s3 =	sld [smem:$0x3FFC];
	_ =	sdelay $0x3  }
0x94: {  	_ =	strace s3  }
0x95: {  	s3 =	sld [smem:$0x3FFD];
	_ =	sdelay $0x3  }
0x96: {  	_ =	strace s3  }
0x97: {  	_ =	strace $0x8FFFFFFF  }
0x98: {  	s19 =	sld [smem:$0x3FDB];
	_ =	sdelay $0x1  }
0x99: {  	s4 =	simm.s32 $_scs_section_size  }
0x9a: {  	s5 =	simm.s32 $_size__tile_overlayer_lowered;
	s6 =	simm.s32 $_tile_overlayer_lowered  }
0x9b: {  	s22 =	simm.s32 $0x1BFF;
	s21 =	sshll.u32 s6, $0x1;
	s3 =	sadd.s32 s4, s19  }
0x9c: {  	s7 =	simm.s32 $0x0;
	s20 =	sshll.u32 s5, $0x1;
	s5 =	sadd.s32 s21, s3  }
0x9d: {  	[timem:s7], [sflag:s22] =	dma.local [hbm:s5], s20  }
0x9e: {  	_ =	swait.ge [sflag:s22], s20  }
0x9f: {  	s4 =	ssub.s32 $0x0, s20;
	[sflag:s22] =	ssyncset.done $0x0  }
0xa0: {  	[sflag:s22] =	ssyncadd.s32 s4;
	_ =	sdelay $0x1  }
0xa1: {  	s23 =	simm.s32 $0x1B8B  }
0xa2: {  	_ =	swait.ge [sflag:s23], $0x1  }
0xa3: {  	[sflag:s23] =	ssyncset.done $0x0  }
0xa4: {  	s25 =	simm.s32 $0x1B8E;
	s24 =	sld [smem:$0x3FFE];
	[sflag:s23] =	ssyncadd.s32 $0xFFFFFFFF  }
0xa5: {  	s26 =	simm.s32 $execute0_lowered;
	[smem:$0x3FD2] =	sst s25  }
0xa6: {  	s5 =	sshll.u32 s26, $0x1;
	_ =	strace $0x80000046;
	[dreg:$0x1] =	wrdreg $0xFFFFFFFF  }
0xa7: {  	s28 =	simm.s32 $_size_execute0_lowered;
	s3 =	sadd.s32 s3, s5;
	[dreg:$0x0] =	wrdreg $0x0  }
0xa8: {  	s5 =	sshll.u32 s28, $0x1;
	[dreg:$0x2] =	wrdreg s3  }
0xa9: {  	[dreg:$0x3] =	wrdreg s5  }
0xaa: {  	[dreg:$0x4] =	wrdreg $0xC0  }
0xab: {  	_ =	task [dreg:s7], $0x5FFFF  }
0xac: {  	[dreg:$0x1] =	wrdreg $0xFFFFFFFF  }
0xad: {  	[dreg:$0x0] =	wrdreg $0x60  }
0xae: {  	[dreg:$0x2] =	wrdreg s2  }
0xaf: {  	[dreg:$0x3] =	wrdreg s24  }
0xb0: {  	[dreg:$0x4] =	wrdreg $0x54000  }
0xb1: {  	[dreg:$0x5] =	wrdreg $0x9  }
0xb2: {  	_ =	task.clear_ibuf [dreg:s7], $0x6FFFF;
	_ =	strace $0x90000046  }
0xb3: {  	s29 =	simm.s32 $0x9;
	_ =	strace $0x80000048  }
0xb4: {  	_ =	swait.ge [sflag:s29], $0x1  }
0xb5: {  	[sflag:s29] =	ssyncadd.s32 $0xFFFFFFFF  }
0xb6: {  	_ =	strace $0x90000048  }
0xb7: {  	_ =	sfence  }
0xb8: {  	s30 =	sld [smem:$0x0];
	_ =	sdelay $0x2  }
0xb9: {  	s31 =	sshll.u32 s1, $0xD;
	s1 =	sshrl.u32 s1, $0x2  }
0xba: {  	s3 =	sand.u32 $0x4000, s31;
	s1 =	sadd.s32 s1, s30  }
0xbb: {  	s0 =	sor.u32 s3, s0;
	s1 =	sshll.u32 s1, $0x11  }
0xbc: {  	s0 =	sor.u32 s1, s0  }
0xbd: {  	s0 =	sadd.s32 $0x8F2B, s0  }
0xbe: {  	[sflag:s0] =	ssyncadd.remote.s32 $0x1  }
0xbf: {  	_ =	sfence.sel $0xFFFF  }
0xc0: {  	[dreg:$0x0] =	wrdreg $0xFFFFFFFF;
	(pc) =	sbr.abs _section_cstart, $3  }
0xc1: {  	[dreg:$0x1] =	wrdreg $0xFFFFFFFF  }
0xc2: {  	_ =	task.clear_ibuf [dreg:s7], $0x2FFFF;
	_ =	strace $0x9FFFFFFF  }
0xc3: {  	(tm) =	ssettm $0x7FFFFFFF  }
tec
execute0_lowered:
.L_overlay_start_1:
0x0: {  	(tag) =	ssettag $0x1  }
0x1: {  	s0 =	rddreg [dreg:$0x0]  }
0x2: {  	s2 =	rddreg [dreg:$0x1]  }
0x3: {  	s1 =	rddreg [dreg:$0x2];
	s3 =	srdreg.scid  }
0x4: {  	s11 =	stileid.u32;
	s13 =	simm.s32 $0x80;
	s18 =	simm.s32 $0x4C00  }
0x5: {  	s19 =	simm.s32 $0x4C80;
	s20 =	simm.s32 $0x4D00;
	s21 =	simm.s32 $0x4D80  }
0x6: {  	s22 =	simm.s32 $0x4E00;
	s28 =	simm.s32 $0x5080;
	s29 =	simm.s32 $0x5100  }
0x7: {  	s30 =	simm.s32 $0x5180;
	s31 =	simm.s32 $0x5200;
	s14 =	simm.s32 $0x5380  }
0x8: {  	s15 =	simm.s32 $0x1;
	s16 =	simm.s32 $0x0;
	s8 =	smul.u32 $0x13C00, s11  }
0x9: {  	s6 =	sand.u32 $0x1, s3;
	s3 =	simm.s32 $0x0;
	s9 =	smul.u32 $0x4F000, s11  }
0xa: {  	s4 =	sadd.s32 $0x2600, s2;
	s5 =	sadd.s32 $0x2E00, s2;
	s7 =	smul.u32 $0x13C000, s6  }
0xb: {  	[smem:$0x7FF] =	sst s3;
	s23 =	sshll.u32 s6, $0x4;
	s6 =	ssub.s32 $0x2, s6  }
0xc: {  	s26 =	sshll.u32 s11, $0x6;
	_ =	strace $0x80000047;
	s10 =	sshrl.u32 s6, $0x1  }
0xd: {  	s24 =	sshrl.u32 s9, $0x2;
	s9 =	simm.s32 $0x2;
	s7 =	sadd.s32 s8, s7  }
0xe: {  	s8 =	sor.u32 s11, s23;
	s10 =	ssub.s32 s6, s10;
	s25 =	sadd.s32 s24, s1  }
0xf: {  	s11 =	sor.u32 $0x1C02, s26;
	s23 =	simm.s32 $0x4E80;
	s24 =	simm.s32 $0x4F00  }
0x10: {  	s26 =	simm.s32 $0x5000;
	s7 =	sshrl.u32 s7, $0x3;
	s8 =	smul.u32 $0x280, s8  }
0x11: {  	s12 =	sshrl.u32 s25, $0x3;
	s25 =	simm.s32 $0x4F80;
	s2 =	sadd.s32 s7, s2  }
0x12: {  	s6 =	sadd.s32 s0, s8;
	s7 =	sadd.s32 $0x5600, s2;
	s8 =	smax.u32 s10, $0x1  }
0x13: {  	s10 =	simm.s32 $0x4000;
	s0 =	simm.s32 $0x5280;
	s2 =	simm.s32 $0x5300  }
.LBB2_1:
0x14: {  	[tilespmem:s3], [sflag:$0x2] =	stream.linear.gather [hbm4b:s4+s3], $0x4000, $0x38;
	[tilespmem:$0x19000] =	vst v63  }
0x15: {  	_ =	swait.ge [sflag:s9], $0x4000  }
0x16: {  	[sflag:s9] =	ssyncset.done $0x0  }
0x17: {  	[sflag:s9] =	ssyncadd.s32 $0xFFFFC000  }
0x18: {  	[tilespmem:s10], [sflag:$0x2] =	stream.linear.gather [hbm4b:s6+s3], $0x1400, $0x38;
	[tilespmem:$0x19000] =	vst v63  }
0x19: {  	_ =	swait.ge [sflag:s9], $0x1400  }
0x1a: {  	[sflag:s9] =	ssyncset.done $0x0  }
0x1b: {  	[sflag:s9] =	ssyncadd.s32 $0xFFFFEC00  }
0x1c: {  	[spmem:s12], [sflag:s11] =	dma.local [hbm:s5], $0x2780  }
0x1d: {  	_ =	swait.ge [sflag:s9], $0x2780  }
0x1e: {  	[sflag:s9] =	ssyncset.done $0x0  }
0x1f: {  	[sflag:s9] =	ssyncadd.s32 $0xFFFFD880  }
0x20: {  	[bflag:$0x0] =	sbarrier.arrive $0xFFFF  }
0x21: {  	[spmem:s1] =	stream.indirect.scatter.add.f32 [tilespmem:s3], [sflag:$0x1], $0x80, s10, s13, $0xb8;
	[tilespmem:$0x19000] =	vst v63  }
0x22: {  	s17 =	simm.s32 $0x4080  }
0x23: {  	[spmem:s1] =	stream.indirect.scatter.add.f32 [tilespmem:s3], [sflag:$0x1], $0x80, s17, s13, $0xb8;
	[tilespmem:$0x19000] =	vst v63  }
0x24: {  	s17 =	simm.s32 $0x4100  }
0x25: {  	[spmem:s1] =	stream.indirect.scatter.add.f32 [tilespmem:s3], [sflag:$0x1], $0x80, s17, s13, $0xb8;
	[tilespmem:$0x19000] =	vst v63  }
0x26: {  	s17 =	simm.s32 $0x4180  }
0x27: {  	[spmem:s1] =	stream.indirect.scatter.add.f32 [tilespmem:s3], [sflag:$0x1], $0x80, s17, s13, $0xb8;
	[tilespmem:$0x19000] =	vst v63  }
0x28: {  	s17 =	simm.s32 $0x4200  }
0x29: {  	[spmem:s1] =	stream.indirect.scatter.add.f32 [tilespmem:s3], [sflag:$0x1], $0x80, s17, s13, $0xb8;
	[tilespmem:$0x19000] =	vst v63  }
0x2a: {  	s17 =	simm.s32 $0x4280  }
0x2b: {  	[spmem:s1] =	stream.indirect.scatter.add.f32 [tilespmem:s3], [sflag:$0x1], $0x80, s17, s13, $0xb8;
	[tilespmem:$0x19000] =	vst v63  }
0x2c: {  	s17 =	simm.s32 $0x4300  }
0x2d: {  	[spmem:s1] =	stream.indirect.scatter.add.f32 [tilespmem:s3], [sflag:$0x1], $0x80, s17, s13, $0xb8;
	[tilespmem:$0x19000] =	vst v63  }
0x2e: {  	s17 =	simm.s32 $0x4380  }
0x2f: {  	[spmem:s1] =	stream.indirect.scatter.add.f32 [tilespmem:s3], [sflag:$0x1], $0x80, s17, s13, $0xb8;
	[tilespmem:$0x19000] =	vst v63  }
0x30: {  	s17 =	simm.s32 $0x4400  }
0x31: {  	[spmem:s1] =	stream.indirect.scatter.add.f32 [tilespmem:s3], [sflag:$0x1], $0x80, s17, s13, $0xb8;
	[tilespmem:$0x19000] =	vst v63  }
0x32: {  	s17 =	simm.s32 $0x4480  }
0x33: {  	[spmem:s1] =	stream.indirect.scatter.add.f32 [tilespmem:s3], [sflag:$0x1], $0x80, s17, s13, $0xb8;
	[tilespmem:$0x19000] =	vst v63  }
0x34: {  	s17 =	simm.s32 $0x4500  }
0x35: {  	[spmem:s1] =	stream.indirect.scatter.add.f32 [tilespmem:s3], [sflag:$0x1], $0x80, s17, s13, $0xb8;
	[tilespmem:$0x19000] =	vst v63  }
0x36: {  	s17 =	simm.s32 $0x4580  }
0x37: {  	[spmem:s1] =	stream.indirect.scatter.add.f32 [tilespmem:s3], [sflag:$0x1], $0x80, s17, s13, $0xb8;
	[tilespmem:$0x19000] =	vst v63  }
0x38: {  	s17 =	simm.s32 $0x4600  }
0x39: {  	[spmem:s1] =	stream.indirect.scatter.add.f32 [tilespmem:s3], [sflag:$0x1], $0x80, s17, s13, $0xb8;
	[tilespmem:$0x19000] =	vst v63  }
0x3a: {  	s17 =	simm.s32 $0x4680  }
0x3b: {  	[spmem:s1] =	stream.indirect.scatter.add.f32 [tilespmem:s3], [sflag:$0x1], $0x80, s17, s13, $0xb8;
	[tilespmem:$0x19000] =	vst v63  }
0x3c: {  	s17 =	simm.s32 $0x4700  }
0x3d: {  	[spmem:s1] =	stream.indirect.scatter.add.f32 [tilespmem:s3], [sflag:$0x1], $0x80, s17, s13, $0xb8;
	[tilespmem:$0x19000] =	vst v63  }
0x3e: {  	s17 =	simm.s32 $0x4780  }
0x3f: {  	[spmem:s1] =	stream.indirect.scatter.add.f32 [tilespmem:s3], [sflag:$0x1], $0x80, s17, s13, $0xb8;
	[tilespmem:$0x19000] =	vst v63  }
0x40: {  	s17 =	simm.s32 $0x4800  }
0x41: {  	[spmem:s1] =	stream.indirect.scatter.add.f32 [tilespmem:s3], [sflag:$0x1], $0x80, s17, s13, $0xb8;
	[tilespmem:$0x19000] =	vst v63  }
0x42: {  	s17 =	simm.s32 $0x4880  }
0x43: {  	[spmem:s1] =	stream.indirect.scatter.add.f32 [tilespmem:s3], [sflag:$0x1], $0x80, s17, s13, $0xb8;
	[tilespmem:$0x19000] =	vst v63  }
0x44: {  	s17 =	simm.s32 $0x4900  }
0x45: {  	[spmem:s1] =	stream.indirect.scatter.add.f32 [tilespmem:s3], [sflag:$0x1], $0x80, s17, s13, $0xb8;
	[tilespmem:$0x19000] =	vst v63  }
0x46: {  	s17 =	simm.s32 $0x4980  }
0x47: {  	[spmem:s1] =	stream.indirect.scatter.add.f32 [tilespmem:s3], [sflag:$0x1], $0x80, s17, s13, $0xb8;
	[tilespmem:$0x19000] =	vst v63  }
0x48: {  	s17 =	simm.s32 $0x4A00  }
0x49: {  	[spmem:s1] =	stream.indirect.scatter.add.f32 [tilespmem:s3], [sflag:$0x1], $0x80, s17, s13, $0xb8;
	[tilespmem:$0x19000] =	vst v63  }
0x4a: {  	s17 =	simm.s32 $0x4A80  }
0x4b: {  	[spmem:s1] =	stream.indirect.scatter.add.f32 [tilespmem:s3], [sflag:$0x1], $0x80, s17, s13, $0xb8;
	[tilespmem:$0x19000] =	vst v63  }
0x4c: {  	s17 =	simm.s32 $0x4B00  }
0x4d: {  	[spmem:s1] =	stream.indirect.scatter.add.f32 [tilespmem:s3], [sflag:$0x1], $0x80, s17, s13, $0xb8;
	[tilespmem:$0x19000] =	vst v63  }
0x4e: {  	s17 =	simm.s32 $0x4B80  }
0x4f: {  	[spmem:s1] =	stream.indirect.scatter.add.f32 [tilespmem:s3], [sflag:$0x1], $0x80, s17, s13, $0xb8;
	[tilespmem:$0x19000] =	vst v63  }
0x50: {  	_ = 	snop  }
0x51: {  	[spmem:s1] =	stream.indirect.scatter.add.f32 [tilespmem:s3], [sflag:$0x1], $0x80, s18, s13, $0xb8;
	[tilespmem:$0x19000] =	vst v63  }
0x52: {  	_ = 	snop  }
0x53: {  	[spmem:s1] =	stream.indirect.scatter.add.f32 [tilespmem:s3], [sflag:$0x1], $0x80, s19, s13, $0xb8;
	[tilespmem:$0x19000] =	vst v63  }
0x54: {  	_ = 	snop  }
0x55: {  	[spmem:s1] =	stream.indirect.scatter.add.f32 [tilespmem:s3], [sflag:$0x1], $0x80, s20, s13, $0xb8;
	[tilespmem:$0x19000] =	vst v63  }
0x56: {  	_ = 	snop  }
0x57: {  	[spmem:s1] =	stream.indirect.scatter.add.f32 [tilespmem:s3], [sflag:$0x1], $0x80, s21, s13, $0xb8;
	[tilespmem:$0x19000] =	vst v63  }
0x58: {  	_ = 	snop  }
0x59: {  	[spmem:s1] =	stream.indirect.scatter.add.f32 [tilespmem:s3], [sflag:$0x1], $0x80, s22, s13, $0xb8;
	[tilespmem:$0x19000] =	vst v63  }
0x5a: {  	_ = 	snop  }
0x5b: {  	[spmem:s1] =	stream.indirect.scatter.add.f32 [tilespmem:s3], [sflag:$0x1], $0x80, s23, s13, $0xb8;
	[tilespmem:$0x19000] =	vst v63  }
0x5c: {  	_ = 	snop  }
0x5d: {  	[spmem:s1] =	stream.indirect.scatter.add.f32 [tilespmem:s3], [sflag:$0x1], $0x80, s24, s13, $0xb8;
	[tilespmem:$0x19000] =	vst v63  }
0x5e: {  	_ = 	snop  }
0x5f: {  	[spmem:s1] =	stream.indirect.scatter.add.f32 [tilespmem:s3], [sflag:$0x1], $0x80, s25, s13, $0xb8;
	[tilespmem:$0x19000] =	vst v63  }
0x60: {  	_ = 	snop  }
0x61: {  	[spmem:s1] =	stream.indirect.scatter.add.f32 [tilespmem:s3], [sflag:$0x1], $0x80, s26, s13, $0xb8;
	[tilespmem:$0x19000] =	vst v63  }
0x62: {  	_ = 	snop  }
0x63: {  	[spmem:s1] =	stream.indirect.scatter.add.f32 [tilespmem:s3], [sflag:$0x1], $0x80, s28, s13, $0xb8;
	[tilespmem:$0x19000] =	vst v63  }
0x64: {  	_ = 	snop  }
0x65: {  	[spmem:s1] =	stream.indirect.scatter.add.f32 [tilespmem:s3], [sflag:$0x1], $0x80, s29, s13, $0xb8;
	[tilespmem:$0x19000] =	vst v63  }
0x66: {  	_ = 	snop  }
0x67: {  	[spmem:s1] =	stream.indirect.scatter.add.f32 [tilespmem:s3], [sflag:$0x1], $0x80, s30, s13, $0xb8;
	[tilespmem:$0x19000] =	vst v63  }
0x68: {  	_ = 	snop  }
0x69: {  	[spmem:s1] =	stream.indirect.scatter.add.f32 [tilespmem:s3], [sflag:$0x1], $0x80, s31, s13, $0xb8;
	[tilespmem:$0x19000] =	vst v63  }
0x6a: {  	_ = 	snop  }
0x6b: {  	[spmem:s1] =	stream.indirect.scatter.add.f32 [tilespmem:s3], [sflag:$0x1], $0x80, s0, s13, $0xb8;
	[tilespmem:$0x19000] =	vst v63  }
0x6c: {  	_ = 	snop  }
0x6d: {  	[spmem:s1] =	stream.indirect.scatter.add.f32 [tilespmem:s3], [sflag:$0x1], $0x80, s2, s13, $0xb8;
	[tilespmem:$0x19000] =	vst v63  }
0x6e: {  	_ = 	snop  }
0x6f: {  	[spmem:s1] =	stream.indirect.scatter.add.f32 [tilespmem:s3], [sflag:$0x1], $0x80, s14, s13, $0xb8;
	[tilespmem:$0x19000] =	vst v63  }
0x70: {  	_ =	swait.ge [sflag:s15], $0x4000  }
0x71: {  	s17 =	simm.s32 $0x27;
	[sflag:s15] =	ssyncset.done $0x0  }
.LBB2_2:
0x72: {  	p0 =	sne.s32 s17, $0x1;
	s17 =	sadd.s32 $0xFFFFFFFF, s17;
	[sflag:s15] =	ssyncadd.s32 $0xFFFFC000  }
.Ltmp0:
0x73: {  	(pc) =	sbr.rel @p0 .LBB2_2-.Ltmp0, $3  }
0x74: {  	_ =	sdelay $0x1  }
0x75: {  	_ =	swait.ge [sflag:s15], $0x4000  }
0x76: {  	[sflag:s15] =	ssyncset.done $0x0  }
0x77: {  	s16 =	sadd.s32 $0x1, s16  }
0x78: {  	[sflag:s15] =	ssyncadd.s32 $0xFFFFC000;
	p0 =	sne.s32 s16, s8  }
.Ltmp1:
0x79: {  	[bflag:$0x0] =	sbarrier.arrive $0xFFFF;
	(pc) =	sbr.rel @p0 .LBB2_1-.Ltmp1, $4  }
0x7a: {  	[hbm:s7], [sflag:s11] =	dma.local [spmem:s12], $0x2780  }
0x7b: {  	_ =	swait.ge [sflag:s9], $0x2780  }
0x7c: {  	[sflag:s9] =	ssyncset.done $0x0  }
0x7d: {  	[sflag:s9] =	ssyncadd.s32 $0xFFFFD880  }
0x7e: {  	_ =	sfence.sel $0x180000  }
0x7f: {  	[bflag:$0x0] =	sbarrier.arrive $0xFFFF  }
0x80: {  	_ =	strace $0x90000047  }
0x81: {  	s0 =	stileid.u32;
	[bflag:$0x2] =	sbarrier.arrive $0xFFFF  }
0x82: {  	p0 =	sne.s32 s0, $0x0;
	s0 =	rddreg [dreg:$0x3]  }
0x83: {  	s0 =	sadd.s32 @!p0 $0x100000, s0  }
0x84: {  	[sflag:s0] =	ssyncadd.tile.s32 @!p0 $0x1;
	_ =	shalt  }
.Lfunc_end2:
_tile_overlayer_lowered:
.L_overlay_start_2:
0x85: {  	(tag) =	ssettag $0x2  }
0x86: {  	s0 =	rddreg [dreg:$0x0];
	s2 =	stileid.u32  }
0x87: {  	s1 =	rddreg [dreg:$0x1];
	p0 =	sne.s32 s2, $0x0  }
0x88: {  	s3 =	rddreg [dreg:$0x2];
	[bflag:$0x3] =	sbarrier.arrive $0xFFFF;
	s2 =	simm.s32 @!p0 $0x1C02  }
0x89: {  	[timem:s3], [sflag:s2] =	dma.local @!p0 [hbm:s0], s1  }
0x8a: {  	s0 =	simm.s32 @!p0 $0x2  }
0x8b: {  	_ =	swait.ge @!p0 [sflag:s0], s1  }
0x8c: {  	s1 =	ssub.s32 @!p0 $0x0, s1;
	[sflag:s0] =	ssyncset.done @!p0 $0x0  }
0x8d: {  	[sflag:s0] =	ssyncadd.s32 @!p0 s1  }
0x8e: {  	[bflag:$0x3] =	sbarrier.arrive $0xFFFF  }
0x8f: {  	_ =	shalt  }

</sc_bundles>
